<compile_context>
chip_gen: v7x
topology: tpu7x:2x2x1
jax: 0.10.2.dev20260603
libtpu: 0.0.44.dev20260713+nightly
codegen_flags: <defaults>
</compile_context>

<pallas_src>
import functools

import jax
import jax.numpy as jnp
from jax import lax
from jax.experimental import pallas as pl
from jax.experimental.pallas import tpu as pltpu
from jax.experimental.pallas import tpu_sc as plsc

NQ = 1024
D = 32
NI = 100000
BLK = 2000
NBLK = NI // BLK

_NEG_INF = float("-inf")
_BIG_I32 = 2**30


def _topk_body(q_ref, items_ref, out_ref, sc_ref, m1s, m2s, a1s, a2s):
    b = pl.program_id(0)
    nstrip = BLK // 8

    sc_ref[...] = lax.dot_general(
        items_ref[...], q_ref[...], (((1,), (1,)), ((), ())),
        preferred_element_type=jnp.float32)

    @pl.when(b == 0)
    def _init():
        m1s[...] = jnp.full((8, NQ), _NEG_INF, jnp.float32)
        m2s[...] = jnp.full((8, NQ), _NEG_INF, jnp.float32)
        a1s[...] = jnp.zeros((8, NQ), jnp.int32)
        a2s[...] = jnp.zeros((8, NQ), jnp.int32)

    def step(t, carry):
        M1, M2, A1, A2 = carry
        s = sc_ref[pl.ds(t * 8, 8), :]
        k = jnp.full((8, NQ), b * nstrip + t, jnp.int32)
        c1 = s > M1
        c2 = s > M2
        M2n = jnp.where(c1, M1, jnp.where(c2, s, M2))
        A2n = jnp.where(c1, A1, jnp.where(c2, k, A2))
        M1n = jnp.where(c1, s, M1)
        A1n = jnp.where(c1, k, A1)
        return M1n, M2n, A1n, A2n

    M1, M2, A1, A2 = lax.fori_loop(
        0, nstrip, step, (m1s[...], m2s[...], a1s[...], a2s[...]),
        unroll=25)
    m1s[...], m2s[...], a1s[...], a2s[...] = M1, M2, A1, A2

    @pl.when(b == NBLK - 1)
    def _emit():
        sub = lax.broadcasted_iota(jnp.int32, (8, NQ), 0)
        rows1 = A1 * 8 + sub
        rows2 = A2 * 8 + sub
        g1 = jnp.max(M1, axis=0, keepdims=True)
        am1 = jnp.min(jnp.where(M1 == g1, rows1, _BIG_I32), axis=0,
                      keepdims=True)
        winner = rows1 == am1
        v2 = jnp.where(winner, M2, M1)
        i2 = jnp.where(winner, rows2, rows1)
        g2 = jnp.max(v2, axis=0, keepdims=True)
        am2 = jnp.min(jnp.where(v2 == g2, i2, _BIG_I32), axis=0,
                      keepdims=True)
        out_ref[0:1, :] = am1
        out_ref[1:2, :] = am2


def _topk_call(q, items):
    return pl.pallas_call(
        _topk_body,
        grid=(NBLK,),
        in_specs=[
            pl.BlockSpec((NQ, D), lambda b: (0, 0)),
            pl.BlockSpec((BLK, D), lambda b: (b, 0)),
        ],
        out_specs=pl.BlockSpec((2, NQ), lambda b: (0, 0)),
        out_shape=jax.ShapeDtypeStruct((2, NQ), jnp.int32),
        scratch_shapes=[
            pltpu.VMEM((BLK, NQ), jnp.float32),
            pltpu.VMEM((8, NQ), jnp.float32),
            pltpu.VMEM((8, NQ), jnp.float32),
            pltpu.VMEM((8, NQ), jnp.int32),
            pltpu.VMEM((8, NQ), jnp.int32),
        ],
    )(q, items)


def _sc_gather(items, idx):
    info = plsc.get_sparse_core_info()
    nw = info.num_cores * info.num_subcores
    nb = 2 * NQ
    b_per_w = nb // nw
    mesh = plsc.VectorSubcoreMesh(core_axis_name="c", subcore_axis_name="s")

    @functools.partial(
        pl.kernel,
        out_type=jax.ShapeDtypeStruct((nb, D), jnp.float32),
        mesh=mesh,
        scratch_types=[
            pltpu.VMEM((b_per_w,), jnp.int32),
            pltpu.VMEM((b_per_w, D), jnp.float32),
            pltpu.SemaphoreType.DMA,
        ],
        compiler_params=pltpu.CompilerParams(use_tc_tiling_on_sc=False),
    )
    def gather_kernel(table_hbm, idx_hbm, out_hbm, idx_v, rows_v, sem):
        wid = lax.axis_index("s") * info.num_cores + lax.axis_index("c")
        base = wid * b_per_w
        pltpu.sync_copy(idx_hbm.at[pl.ds(base, b_per_w)], idx_v)
        pltpu.async_copy(table_hbm.at[idx_v], rows_v, sem).wait()
        pltpu.sync_copy(rows_v, out_hbm.at[pl.ds(base, b_per_w)])

    return gather_kernel(items, idx)


def _loss_body(q_ref, pos_ref, neg_ref, out_ref):
    q = q_ref[...]
    eps = 1e-6
    dp = jnp.sqrt(jnp.sum((q - pos_ref[...] + eps) ** 2, axis=1,
                          keepdims=True))
    dn = jnp.sqrt(jnp.sum((q - neg_ref[...] + eps) ** 2, axis=1,
                          keepdims=True))
    losses = jnp.maximum(dp - dn + 1.0, 0.0)
    out_ref[0, 0] = jnp.sum(losses) * (1.0 / NQ)


def _loss_call(q, gathered):
    return pl.pallas_call(
        _loss_body,
        grid=(1,),
        in_specs=[
            pl.BlockSpec((NQ, D), lambda i: (0, 0)),
            pl.BlockSpec((NQ, D), lambda i: (0, 0)),
            pl.BlockSpec((NQ, D), lambda i: (1, 0)),
        ],
        out_specs=pl.BlockSpec(memory_space=pltpu.SMEM),
        out_shape=jax.ShapeDtypeStruct((1, 1), jnp.float32),
    )(q, gathered, gathered)


def kernel(queries, items):
    q = queries.reshape(NQ, D)
    idx2 = _topk_call(q, items)
    gathered = _sc_gather(items, idx2.reshape(2 * NQ))
    return _loss_call(q, gathered).reshape(())

# --- scband reference (transcript-rebuilt; emitter-appended) ---
"""Pipeline reference for scband-contrastive-loss-541165879318 (READ-ONLY COPY).

The authoritative reference and input builder live on the scoring server;
editing this copy changes nothing except your own understanding.
"""

import jax, jax.numpy as jnp
import numpy as np

TEMP_PARAM = 0.1
EPS = 1e-12
REDUCE = True


def setup_inputs(seed: int = 0) -> dict:
    key = jax.random.key(seed)
    k1, k2 = jax.random.split(key)
    queries = jax.random.normal(k1, (1024, 32), dtype=jnp.float32)
    items = jax.random.normal(k2, (100000, 32), dtype=jnp.float32)
    return {"queries": queries, "items": items}


def _triplet_margin_loss(anchor, pos, neg, margin=1.0, p=2.0, pair_eps=1e-6, reduce=True):
    # Faithful to torch.nn.TripletMarginLoss defaults (p=2, eps=1e-6 added inside pairwise distance)
    d_pos = jnp.power(jnp.sum(jnp.power(jnp.abs(anchor - pos + pair_eps), p), axis=1), 1.0 / p)
    d_neg = jnp.power(jnp.sum(jnp.power(jnp.abs(anchor - neg + pair_eps), p), axis=1), 1.0 / p)
    losses = jnp.maximum(d_pos - d_neg + margin, 0.0)
    if reduce:
        return jnp.mean(losses)
    return losses


def reference(queries, items):
    batch_size = queries.shape[0]
    d_model = queries.shape[-1]
    q = queries.reshape(-1, d_model)
    # get_score: matmul + softmax over items
    score = jnp.matmul(q, items.T)
    score = jax.nn.softmax(score, axis=1)
    # top-2 retrieval over the item memory
    _, indices = jax.lax.top_k(score, 2)
    pos = items[indices[:, 0]]
    neg = items[indices[:, 1]]
    anc = q
    spread_loss = _triplet_margin_loss(anc, pos, neg, margin=1.0, reduce=REDUCE)
    if REDUCE:
        return spread_loss
    return spread_loss.reshape(batch_size, -1)

if __name__ == "__main__":
    import jax
    _d = setup_inputs()
    print(jax.jit(kernel)(*tuple(_d.values())))

</pallas_src>

<mosaic_0001>
#map = affine_map<(d0, d1) -> (0, 0)>
#map1 = affine_map<(d0, d1) -> (0)>
module attributes {stable_mosaic.version = 14 : i64} {
  func.func @gather_kernel(%arg0: i32, %arg1: i32, %arg2: memref<100000x32xf32, #tpu.memory_space<hbm>>, %arg3: memref<2048xi32, #tpu.memory_space<hbm>>, %arg4: memref<2048x32xf32, #tpu.memory_space<hbm>>, %arg5: memref<64xi32, #tpu.memory_space<vmem>>, %arg6: memref<64x32xf32, #tpu.memory_space<vmem>>, %arg7: memref<!tpu.dma_semaphore, #tpu.memory_space<semaphore_mem>>) attributes {dimension_semantics = [#tpu.dimension_semantics<core_parallel>, #tpu.dimension_semantics<subcore_parallel>], iteration_bounds = array<i64: 2, 16>, scalar_prefetch = 0 : i64, scratch_operands = 3 : i64, tpu.core_type = #tpu.core_type<sc_vector_subcore>, window_params = [{transform_indices = #map}, {transform_indices = #map1}, {transform_indices = #map}]} {
    %mul3A = arith.constant 2 : i32
    %mul3A_0 = arith.muli %arg1, %mul3A : i32
    %add3A = arith.addi %mul3A_0, %arg0 : i32
    %mul3A_1 = arith.constant 64 : i32
    %mul3A_2 = arith.muli %add3A, %mul3A_1 : i32
    "tpu.region"() ({
      %run_scoped3A = tpu.sem_alloc : memref<!tpu.dma_semaphore, #tpu.memory_space<semaphore_mem>>
      %dma_start3A_7 = tpu.memref_slice %arg3[%mul3A_2] : memref<2048xi32, #tpu.memory_space<hbm>> -> memref<64xi32, #tpu.memory_space<hbm>>
      %dma_start3A_8 = tpu.memref_slice %arg3[%mul3A_2] : memref<2048xi32, #tpu.memory_space<hbm>> -> memref<64xi32, #tpu.memory_space<hbm>>
      tpu.enqueue_dma source(%dma_start3A_8 : memref<64xi32, #tpu.memory_space<hbm>>) target(%arg5 : memref<64xi32, #tpu.memory_space<vmem>>) target_semaphore(%run_scoped3A : memref<!tpu.dma_semaphore, #tpu.memory_space<semaphore_mem>>)
      %dma_wait3A_9 = tpu.memref_slice %arg3[%mul3A_2] : memref<2048xi32, #tpu.memory_space<hbm>> -> memref<64xi32, #tpu.memory_space<hbm>>
      %dma_wait3A_10 = tpu.memref_slice %arg3[%mul3A_2] : memref<2048xi32, #tpu.memory_space<hbm>> -> memref<64xi32, #tpu.memory_space<hbm>>
      tpu.wait_dma2 semaphore(%run_scoped3A : memref<!tpu.dma_semaphore, #tpu.memory_space<semaphore_mem>>) src(%dma_wait3A_10 : memref<64xi32, #tpu.memory_space<hbm>>) dst(%arg5 : memref<64xi32, #tpu.memory_space<vmem>>)
      tpu.yield
    }) : () -> ()
    %dma_start3A = arith.constant 0 : i32
    %dma_start3A_3 = arith.constant 0 : i32
    %dma_start3A_4 = tpu.memref_slice %arg2[%dma_start3A, %dma_start3A_3] : memref<100000x32xf32, #tpu.memory_space<hbm>> -> memref<100000x32xf32, #tpu.memory_space<hbm>>
    tpu.enqueue_indirect_dma source(%dma_start3A_4 : memref<100000x32xf32, #tpu.memory_space<hbm>>) target(%arg6 : memref<64x32xf32, #tpu.memory_space<vmem>>) offsets(%arg5 : memref<64xi32, #tpu.memory_space<vmem>>) semaphore(%arg7 : memref<!tpu.dma_semaphore, #tpu.memory_space<semaphore_mem>>)
    %dma_wait3A = arith.constant 0 : i32
    %dma_wait3A_5 = arith.constant 0 : i32
    %dma_wait3A_6 = tpu.memref_slice %arg2[%dma_wait3A, %dma_wait3A_5] : memref<100000x32xf32, #tpu.memory_space<hbm>> -> memref<100000x32xf32, #tpu.memory_space<hbm>>
    tpu.wait_indirect_dma semaphore(%arg7 : memref<!tpu.dma_semaphore, #tpu.memory_space<semaphore_mem>>) src(%dma_wait3A_6 : memref<100000x32xf32, #tpu.memory_space<hbm>>) dst(%arg6 : memref<64x32xf32, #tpu.memory_space<vmem>>)
    "tpu.region"() ({
      %run_scoped3A = tpu.sem_alloc : memref<!tpu.dma_semaphore, #tpu.memory_space<semaphore_mem>>
      %dma_start3A_7 = arith.constant 0 : i32
      %dma_start3A_8 = tpu.memref_slice %arg4[%mul3A_2, %dma_start3A_7] : memref<2048x32xf32, #tpu.memory_space<hbm>> -> memref<64x32xf32, #tpu.memory_space<hbm>>
      %dma_start3A_9 = arith.constant 0 : i32
      %dma_start3A_10 = tpu.memref_slice %arg4[%mul3A_2, %dma_start3A_9] : memref<2048x32xf32, #tpu.memory_space<hbm>> -> memref<64x32xf32, #tpu.memory_space<hbm>>
      tpu.enqueue_dma source(%arg6 : memref<64x32xf32, #tpu.memory_space<vmem>>) target(%dma_start3A_10 : memref<64x32xf32, #tpu.memory_space<hbm>>) target_semaphore(%run_scoped3A : memref<!tpu.dma_semaphore, #tpu.memory_space<semaphore_mem>>)
      %dma_wait3A_11 = arith.constant 0 : i32
      %dma_wait3A_12 = tpu.memref_slice %arg4[%mul3A_2, %dma_wait3A_11] : memref<2048x32xf32, #tpu.memory_space<hbm>> -> memref<64x32xf32, #tpu.memory_space<hbm>>
      %dma_wait3A_13 = arith.constant 0 : i32
      %dma_wait3A_14 = tpu.memref_slice %arg4[%mul3A_2, %dma_wait3A_13] : memref<2048x32xf32, #tpu.memory_space<hbm>> -> memref<64x32xf32, #tpu.memory_space<hbm>>
      tpu.wait_dma2 semaphore(%run_scoped3A : memref<!tpu.dma_semaphore, #tpu.memory_space<semaphore_mem>>) src(%arg6 : memref<64x32xf32, #tpu.memory_space<vmem>>) dst(%dma_wait3A_14 : memref<64x32xf32, #tpu.memory_space<hbm>>)
      tpu.yield
    }) : () -> ()
    return
  }
}

module attributes {stable_mosaic.version = 14 : i64} {
  func.func @_topk_body(%arg0: i32, %arg1: memref<1024x32xf32, #tpu.memory_space<vmem>>, %arg2: memref<2000x32xf32, #tpu.memory_space<vmem>>, %arg3: memref<2x1024xi32, #tpu.memory_space<vmem>>, %arg4: memref<2000x1024xf32, #tpu.memory_space<vmem>>, %arg5: memref<8x1024xf32, #tpu.memory_space<vmem>>, %arg6: memref<8x1024xf32, #tpu.memory_space<vmem>>, %arg7: memref<8x1024xi32, #tpu.memory_space<vmem>>, %arg8: memref<8x1024xi32, #tpu.memory_space<vmem>>) attributes {dimension_semantics = [#tpu.dimension_semantics<arbitrary>], iteration_bounds = array<i64: 50>, scalar_prefetch = 0 : i64, scratch_operands = 5 : i64, tpu.core_type = #tpu.core_type<tc>, window_params = [{pipeline_mode = #tpu.pipeline_mode<synchronous>, transform_indices = @transform_0, window_bounds = array<i64: 1024, 32>}, {transform_indices = @transform_1, window_bounds = array<i64: 2000, 32>}, {pipeline_mode = #tpu.pipeline_mode<synchronous>, transform_indices = @transform_2, window_bounds = array<i64: 2, 1024>}]} {
    %get3A = arith.constant 0 : index
    %get3A_0 = arith.constant 0 : index
    %get3A_1 = vector.load %arg2[%get3A, %get3A_0] : memref<2000x32xf32, #tpu.memory_space<vmem>>, vector<2000x32xf32>
    %get3A_2 = arith.constant 0 : index
    %get3A_3 = arith.constant 0 : index
    %get3A_4 = vector.load %arg1[%get3A_2, %get3A_3] : memref<1024x32xf32, #tpu.memory_space<vmem>>, vector<1024x32xf32>
    %dot_general3A = arith.constant dense<0.000000e+00> : vector<2000x1024xf32>
    %dot_general3A_5 = tpu.matmul %get3A_1, %get3A_4, %dot_general3A {dimension_numbers = #tpu.dot_dimension_numbers<[1], [1], [0], [0], [0, 0, 1, 0], [], []>, transpose_lhs_hint = false} : vector<2000x32xf32>, vector<1024x32xf32>, vector<2000x1024xf32> -> vector<2000x1024xf32>
    %swap3A = arith.constant 0 : index
    %swap3A_6 = arith.constant 0 : index
    %swap3A_7 = vector.load %arg4[%swap3A, %swap3A_6] : memref<2000x1024xf32, #tpu.memory_space<vmem>>, vector<2000x1024xf32>
    tpu.vector_store %arg4[%swap3A, %swap3A_6], %dot_general3A_5 {strides = array<i32>} : memref<2000x1024xf32, #tpu.memory_space<vmem>>, vector<2000x1024xf32>,
    %eq3A = arith.constant 0 : i32
    %eq3A_8 = arith.cmpi eq, %arg0, %eq3A : i32
    %convert_element_type3A = arith.extui %eq3A_8 : i1 to i32
    %cond3A = arith.constant 0 : i32
    %cond3A_9 = arith.cmpi ne, %convert_element_type3A, %cond3A : i32
    scf.if %cond3A_9 {
      %broadcast_in_dim3A = arith.constant 0xFF800000 : f32
      %broadcast_in_dim3A_44 = vector.broadcast %broadcast_in_dim3A : f32 to vector<8x1024xf32>
      %swap3A_45 = arith.constant 0 : index
      %swap3A_46 = arith.constant 0 : index
      %swap3A_47 = vector.load %arg5[%swap3A_45, %swap3A_46] : memref<8x1024xf32, #tpu.memory_space<vmem>>, vector<8x1024xf32>
      tpu.vector_store %arg5[%swap3A_45, %swap3A_46], %broadcast_in_dim3A_44 {strides = array<i32>} : memref<8x1024xf32, #tpu.memory_space<vmem>>, vector<8x1024xf32>,
      %broadcast_in_dim3A_48 = arith.constant 0xFF800000 : f32
      %broadcast_in_dim3A_49 = vector.broadcast %broadcast_in_dim3A_48 : f32 to vector<8x1024xf32>
      %swap3A_50 = arith.constant 0 : index
      %swap3A_51 = arith.constant 0 : index
      %swap3A_52 = vector.load %arg6[%swap3A_50, %swap3A_51] : memref<8x1024xf32, #tpu.memory_space<vmem>>, vector<8x1024xf32>
      tpu.vector_store %arg6[%swap3A_50, %swap3A_51], %broadcast_in_dim3A_49 {strides = array<i32>} : memref<8x1024xf32, #tpu.memory_space<vmem>>, vector<8x1024xf32>,
      %broadcast_in_dim3A_53 = arith.constant 0 : i32
      %broadcast_in_dim3A_54 = vector.broadcast %broadcast_in_dim3A_53 : i32 to vector<8x1024xi32>
      %swap3A_55 = arith.constant 0 : index
      %swap3A_56 = arith.constant 0 : index
      %swap3A_57 = vector.load %arg7[%swap3A_55, %swap3A_56] : memref<8x1024xi32, #tpu.memory_space<vmem>>, vector<8x1024xi32>
      tpu.vector_store %arg7[%swap3A_55, %swap3A_56], %broadcast_in_dim3A_54 {strides = array<i32>} : memref<8x1024xi32, #tpu.memory_space<vmem>>, vector<8x1024xi32>,
      %broadcast_in_dim3A_58 = arith.constant 0 : i32
      %broadcast_in_dim3A_59 = vector.broadcast %broadcast_in_dim3A_58 : i32 to vector<8x1024xi32>
      %swap3A_60 = arith.constant 0 : index
      %swap3A_61 = arith.constant 0 : index
      %swap3A_62 = vector.load %arg8[%swap3A_60, %swap3A_61] : memref<8x1024xi32, #tpu.memory_space<vmem>>, vector<8x1024xi32>
      tpu.vector_store %arg8[%swap3A_60, %swap3A_61], %broadcast_in_dim3A_59 {strides = array<i32>} : memref<8x1024xi32, #tpu.memory_space<vmem>>, vector<8x1024xi32>,
    } else {
    }
    %get3A_10 = arith.constant 0 : index
    %get3A_11 = arith.constant 0 : index
    %get3A_12 = vector.load %arg5[%get3A_10, %get3A_11] : memref<8x1024xf32, #tpu.memory_space<vmem>>, vector<8x1024xf32>
    %get3A_13 = arith.constant 0 : index
    %get3A_14 = arith.constant 0 : index
    %get3A_15 = vector.load %arg6[%get3A_13, %get3A_14] : memref<8x1024xf32, #tpu.memory_space<vmem>>, vector<8x1024xf32>
    %get3A_16 = arith.constant 0 : index
    %get3A_17 = arith.constant 0 : index
    %get3A_18 = vector.load %arg7[%get3A_16, %get3A_17] : memref<8x1024xi32, #tpu.memory_space<vmem>>, vector<8x1024xi32>
    %get3A_19 = arith.constant 0 : index
    %get3A_20 = arith.constant 0 : index
    %get3A_21 = vector.load %arg8[%get3A_19, %get3A_20] : memref<8x1024xi32, #tpu.memory_space<vmem>>, vector<8x1024xi32>
    %scan3A = arith.constant 0 : i32
    %scan3A_22 = arith.constant 250 : i32
    %scan3A_23 = arith.addi %scan3A, %scan3A_22 : i32
    %scan3A_24 = arith.constant 25 : i32
    %scan3A_25:4 = scf.for %scan3A_44 = %scan3A to %scan3A_23 step %scan3A_24 iter_args(%scan3A_45 = %get3A_12, %scan3A_46 = %get3A_15, %scan3A_47 = %get3A_18, %scan3A_48 = %get3A_21) -> (vector<8x1024xf32>, vector<8x1024xf32>, vector<8x1024xi32>, vector<8x1024xi32>)  : i32 {
      %mul3A = arith.constant 8 : i32
      %mul3A_49 = arith.muli %scan3A_44, %mul3A : i32
      %get3A_50 = arith.index_cast %mul3A_49 : i32 to index
      %get3A_51 = arith.constant 0 : index
      %get3A_52 = vector.load %arg4[%get3A_50, %get3A_51] : memref<2000x1024xf32, #tpu.memory_space<vmem>>, vector<8x1024xf32>
      %mul3A_53 = arith.constant 250 : i32
      %mul3A_54 = arith.muli %arg0, %mul3A_53 : i32
      %add3A = arith.addi %mul3A_54, %scan3A_44 : i32
      %broadcast_in_dim3A = vector.broadcast %add3A : i32 to vector<8x1024xi32>
      %gt3A = arith.cmpf ogt, %get3A_52, %scan3A_45 : vector<8x1024xf32>
      %gt3A_55 = arith.cmpf ogt, %get3A_52, %scan3A_46 : vector<8x1024xf32>
      %select_n3A = arith.select %gt3A_55, %get3A_52, %scan3A_46 : vector<8x1024xi1>, vector<8x1024xf32>
      %select_n3A_56 = arith.select %gt3A, %scan3A_45, %select_n3A : vector<8x1024xi1>, vector<8x1024xf32>
      %select_n3A_57 = arith.select %gt3A_55, %broadcast_in_dim3A, %scan3A_48 : vector<8x1024xi1>, vector<8x1024xi32>
      %select_n3A_58 = arith.select %gt3A, %scan3A_47, %select_n3A_57 : vector<8x1024xi1>, vector<8x1024xi32>
      %select_n3A_59 = arith.select %gt3A, %get3A_52, %scan3A_45 : vector<8x1024xi1>, vector<8x1024xf32>
      %select_n3A_60 = arith.select %gt3A, %broadcast_in_dim3A, %scan3A_47 : vector<8x1024xi1>, vector<8x1024xi32>
      %scan3A_61 = arith.constant 1 : i32
      %scan3A_62 = arith.addi %scan3A_44, %scan3A_61 : i32
      %mul3A_63 = arith.constant 8 : i32
      %mul3A_64 = arith.muli %scan3A_62, %mul3A_63 : i32
      %get3A_65 = arith.index_cast %mul3A_64 : i32 to index
      %get3A_66 = arith.constant 0 : index
      %get3A_67 = vector.load %arg4[%get3A_65, %get3A_66] : memref<2000x1024xf32, #tpu.memory_space<vmem>>, vector<8x1024xf32>
      %mul3A_68 = arith.constant 250 : i32
      %mul3A_69 = arith.muli %arg0, %mul3A_68 : i32
      %add3A_70 = arith.addi %mul3A_69, %scan3A_62 : i32
      %broadcast_in_dim3A_71 = vector.broadcast %add3A_70 : i32 to vector<8x1024xi32>
      %gt3A_72 = arith.cmpf ogt, %get3A_67, %select_n3A_59 : vector<8x1024xf32>
      %gt3A_73 = arith.cmpf ogt, %get3A_67, %select_n3A_56 : vector<8x1024xf32>
      %select_n3A_74 = arith.select %gt3A_73, %get3A_67, %select_n3A_56 : vector<8x1024xi1>, vector<8x1024xf32>
      %select_n3A_75 = arith.select %gt3A_72, %select_n3A_59, %select_n3A_74 : vector<8x1024xi1>, vector<8x1024xf32>
      %select_n3A_76 = arith.select %gt3A_73, %broadcast_in_dim3A_71, %select_n3A_58 : vector<8x1024xi1>, vector<8x1024xi32>
      %select_n3A_77 = arith.select %gt3A_72, %select_n3A_60, %select_n3A_76 : vector<8x1024xi1>, vector<8x1024xi32>
      %select_n3A_78 = arith.select %gt3A_72, %get3A_67, %select_n3A_59 : vector<8x1024xi1>, vector<8x1024xf32>
      %select_n3A_79 = arith.select %gt3A_72, %broadcast_in_dim3A_71, %select_n3A_60 : vector<8x1024xi1>, vector<8x1024xi32>
      %scan3A_80 = arith.constant 2 : i32
      %scan3A_81 = arith.addi %scan3A_44, %scan3A_80 : i32
      %mul3A_82 = arith.constant 8 : i32
      %mul3A_83 = arith.muli %scan3A_81, %mul3A_82 : i32
      %get3A_84 = arith.index_cast %mul3A_83 : i32 to index
      %get3A_85 = arith.constant 0 : index
      %get3A_86 = vector.load %arg4[%get3A_84, %get3A_85] : memref<2000x1024xf32, #tpu.memory_space<vmem>>, vector<8x1024xf32>
      %mul3A_87 = arith.constant 250 : i32
      %mul3A_88 = arith.muli %arg0, %mul3A_87 : i32
      %add3A_89 = arith.addi %mul3A_88, %scan3A_81 : i32
      %broadcast_in_dim3A_90 = vector.broadcast %add3A_89 : i32 to vector<8x1024xi32>
      %gt3A_91 = arith.cmpf ogt, %get3A_86, %select_n3A_78 : vector<8x1024xf32>
      %gt3A_92 = arith.cmpf ogt, %get3A_86, %select_n3A_75 : vector<8x1024xf32>
      %select_n3A_93 = arith.select %gt3A_92, %get3A_86, %select_n3A_75 : vector<8x1024xi1>, vector<8x1024xf32>
      %select_n3A_94 = arith.select %gt3A_91, %select_n3A_78, %select_n3A_93 : vector<8x1024xi1>, vector<8x1024xf32>
      %select_n3A_95 = arith.select %gt3A_92, %broadcast_in_dim3A_90, %select_n3A_77 : vector<8x1024xi1>, vector<8x1024xi32>
      %select_n3A_96 = arith.select %gt3A_91, %select_n3A_79, %select_n3A_95 : vector<8x1024xi1>, vector<8x1024xi32>
      %select_n3A_97 = arith.select %gt3A_91, %get3A_86, %select_n3A_78 : vector<8x1024xi1>, vector<8x1024xf32>
      %select_n3A_98 = arith.select %gt3A_91, %broadcast_in_dim3A_90, %select_n3A_79 : vector<8x1024xi1>, vector<8x1024xi32>
      %scan3A_99 = arith.constant 3 : i32
      %scan3A_100 = arith.addi %scan3A_44, %scan3A_99 : i32
      %mul3A_101 = arith.constant 8 : i32
      %mul3A_102 = arith.muli %scan3A_100, %mul3A_101 : i32
      %get3A_103 = arith.index_cast %mul3A_102 : i32 to index
      %get3A_104 = arith.constant 0 : index
      %get3A_105 = vector.load %arg4[%get3A_103, %get3A_104] : memref<2000x1024xf32, #tpu.memory_space<vmem>>, vector<8x1024xf32>
      %mul3A_106 = arith.constant 250 : i32
      %mul3A_107 = arith.muli %arg0, %mul3A_106 : i32
      %add3A_108 = arith.addi %mul3A_107, %scan3A_100 : i32
      %broadcast_in_dim3A_109 = vector.broadcast %add3A_108 : i32 to vector<8x1024xi32>
      %gt3A_110 = arith.cmpf ogt, %get3A_105, %select_n3A_97 : vector<8x1024xf32>
      %gt3A_111 = arith.cmpf ogt, %get3A_105, %select_n3A_94 : vector<8x1024xf32>
      %select_n3A_112 = arith.select %gt3A_111, %get3A_105, %select_n3A_94 : vector<8x1024xi1>, vector<8x1024xf32>
      %select_n3A_113 = arith.select %gt3A_110, %select_n3A_97, %select_n3A_112 : vector<8x1024xi1>, vector<8x1024xf32>
      %select_n3A_114 = arith.select %gt3A_111, %broadcast_in_dim3A_109, %select_n3A_96 : vector<8x1024xi1>, vector<8x1024xi32>
      %select_n3A_115 = arith.select %gt3A_110, %select_n3A_98, %select_n3A_114 : vector<8x1024xi1>, vector<8x1024xi32>
      %select_n3A_116 = arith.select %gt3A_110, %get3A_105, %select_n3A_97 : vector<8x1024xi1>, vector<8x1024xf32>
      %select_n3A_117 = arith.select %gt3A_110, %broadcast_in_dim3A_109, %select_n3A_98 : vector<8x1024xi1>, vector<8x1024xi32>
      %scan3A_118 = arith.constant 4 : i32
      %scan3A_119 = arith.addi %scan3A_44, %scan3A_118 : i32
      %mul3A_120 = arith.constant 8 : i32
      %mul3A_121 = arith.muli %scan3A_119, %mul3A_120 : i32
      %get3A_122 = arith.index_cast %mul3A_121 : i32 to index
      %get3A_123 = arith.constant 0 : index
      %get3A_124 = vector.load %arg4[%get3A_122, %get3A_123] : memref<2000x1024xf32, #tpu.memory_space<vmem>>, vector<8x1024xf32>
      %mul3A_125 = arith.constant 250 : i32
      %mul3A_126 = arith.muli %arg0, %mul3A_125 : i32
      %add3A_127 = arith.addi %mul3A_126, %scan3A_119 : i32
      %broadcast_in_dim3A_128 = vector.broadcast %add3A_127 : i32 to vector<8x1024xi32>
      %gt3A_129 = arith.cmpf ogt, %get3A_124, %select_n3A_116 : vector<8x1024xf32>
      %gt3A_130 = arith.cmpf ogt, %get3A_124, %select_n3A_113 : vector<8x1024xf32>
      %select_n3A_131 = arith.select %gt3A_130, %get3A_124, %select_n3A_113 : vector<8x1024xi1>, vector<8x1024xf32>
      %select_n3A_132 = arith.select %gt3A_129, %select_n3A_116, %select_n3A_131 : vector<8x1024xi1>, vector<8x1024xf32>
      %select_n3A_133 = arith.select %gt3A_130, %broadcast_in_dim3A_128, %select_n3A_115 : vector<8x1024xi1>, vector<8x1024xi32>
      %select_n3A_134 = arith.select %gt3A_129, %select_n3A_117, %select_n3A_133 : vector<8x1024xi1>, vector<8x1024xi32>
      %select_n3A_135 = arith.select %gt3A_129, %get3A_124, %select_n3A_116 : vector<8x1024xi1>, vector<8x1024xf32>
      %select_n3A_136 = arith.select %gt3A_129, %broadcast_in_dim3A_128, %select_n3A_117 : vector<8x1024xi1>, vector<8x1024xi32>
      %scan3A_137 = arith.constant 5 : i32
      %scan3A_138 = arith.addi %scan3A_44, %scan3A_137 : i32
      %mul3A_139 = arith.constant 8 : i32
      %mul3A_140 = arith.muli %scan3A_138, %mul3A_139 : i32
      %get3A_141 = arith.index_cast %mul3A_140 : i32 to index
      %get3A_142 = arith.constant 0 : index
      %get3A_143 = vector.load %arg4[%get3A_141, %get3A_142] : memref<2000x1024xf32, #tpu.memory_space<vmem>>, vector<8x1024xf32>
      %mul3A_144 = arith.constant 250 : i32
      %mul3A_145 = arith.muli %arg0, %mul3A_144 : i32
      %add3A_146 = arith.addi %mul3A_145, %scan3A_138 : i32
      %broadcast_in_dim3A_147 = vector.broadcast %add3A_146 : i32 to vector<8x1024xi32>
      %gt3A_148 = arith.cmpf ogt, %get3A_143, %select_n3A_135 : vector<8x1024xf32>
      %gt3A_149 = arith.cmpf ogt, %get3A_143, %select_n3A_132 : vector<8x1024xf32>
      %select_n3A_150 = arith.select %gt3A_149, %get3A_143, %select_n3A_132 : vector<8x1024xi1>, vector<8x1024xf32>
      %select_n3A_151 = arith.select %gt3A_148, %select_n3A_135, %select_n3A_150 : vector<8x1024xi1>, vector<8x1024xf32>
      %select_n3A_152 = arith.select %gt3A_149, %broadcast_in_dim3A_147, %select_n3A_134 : vector<8x1024xi1>, vector<8x1024xi32>
      %select_n3A_153 = arith.select %gt3A_148, %select_n3A_136, %select_n3A_152 : vector<8x1024xi1>, vector<8x1024xi32>
      %select_n3A_154 = arith.select %gt3A_148, %get3A_143, %select_n3A_135 : vector<8x1024xi1>, vector<8x1024xf32>
      %select_n3A_155 = arith.select %gt3A_148, %broadcast_in_dim3A_147, %select_n3A_136 : vector<8x1024xi1>, vector<8x1024xi32>
      %scan3A_156 = arith.constant 6 : i32
      %scan3A_157 = arith.addi %scan3A_44, %scan3A_156 : i32
      %mul3A_158 = arith.constant 8 : i32
      %mul3A_159 = arith.muli %scan3A_157, %mul3A_158 : i32
      %get3A_160 = arith.index_cast %mul3A_159 : i32 to index
      %get3A_161 = arith.constant 0 : index
      %get3A_162 = vector.load %arg4[%get3A_160, %get3A_161] : memref<2000x1024xf32, #tpu.memory_space<vmem>>, vector<8x1024xf32>
      %mul3A_163 = arith.constant 250 : i32
      %mul3A_164 = arith.muli %arg0, %mul3A_163 : i32
      %add3A_165 = arith.addi %mul3A_164, %scan3A_157 : i32
      %broadcast_in_dim3A_166 = vector.broadcast %add3A_165 : i32 to vector<8x1024xi32>
      %gt3A_167 = arith.cmpf ogt, %get3A_162, %select_n3A_154 : vector<8x1024xf32>
      %gt3A_168 = arith.cmpf ogt, %get3A_162, %select_n3A_151 : vector<8x1024xf32>
      %select_n3A_169 = arith.select %gt3A_168, %get3A_162, %select_n3A_151 : vector<8x1024xi1>, vector<8x1024xf32>
      %select_n3A_170 = arith.select %gt3A_167, %select_n3A_154, %select_n3A_169 : vector<8x1024xi1>, vector<8x1024xf32>
      %select_n3A_171 = arith.select %gt3A_168, %broadcast_in_dim3A_166, %select_n3A_153 : vector<8x1024xi1>, vector<8x1024xi32>
      %select_n3A_172 = arith.select %gt3A_167, %select_n3A_155, %select_n3A_171 : vector<8x1024xi1>, vector<8x1024xi32>
      %select_n3A_173 = arith.select %gt3A_167, %get3A_162, %select_n3A_154 : vector<8x1024xi1>, vector<8x1024xf32>
      %select_n3A_174 = arith.select %gt3A_167, %broadcast_in_dim3A_166, %select_n3A_155 : vector<8x1024xi1>, vector<8x1024xi32>
      %scan3A_175 = arith.constant 7 : i32
      %scan3A_176 = arith.addi %scan3A_44, %scan3A_175 : i32
      %mul3A_177 = arith.constant 8 : i32
      %mul3A_178 = arith.muli %scan3A_176, %mul3A_177 : i32
      %get3A_179 = arith.index_cast %mul3A_178 : i32 to index
      %get3A_180 = arith.constant 0 : index
      %get3A_181 = vector.load %arg4[%get3A_179, %get3A_180] : memref<2000x1024xf32, #tpu.memory_space<vmem>>, vector<8x1024xf32>
      %mul3A_182 = arith.constant 250 : i32
      %mul3A_183 = arith.muli %arg0, %mul3A_182 : i32
      %add3A_184 = arith.addi %mul3A_183, %scan3A_176 : i32
      %broadcast_in_dim3A_185 = vector.broadcast %add3A_184 : i32 to vector<8x1024xi32>
      %gt3A_186 = arith.cmpf ogt, %get3A_181, %select_n3A_173 : vector<8x1024xf32>
      %gt3A_187 = arith.cmpf ogt, %get3A_181, %select_n3A_170 : vector<8x1024xf32>
      %select_n3A_188 = arith.select %gt3A_187, %get3A_181, %select_n3A_170 : vector<8x1024xi1>, vector<8x1024xf32>
      %select_n3A_189 = arith.select %gt3A_186, %select_n3A_173, %select_n3A_188 : vector<8x1024xi1>, vector<8x1024xf32>
      %select_n3A_190 = arith.select %gt3A_187, %broadcast_in_dim3A_185, %select_n3A_172 : vector<8x1024xi1>, vector<8x1024xi32>
      %select_n3A_191 = arith.select %gt3A_186, %select_n3A_174, %select_n3A_190 : vector<8x1024xi1>, vector<8x1024xi32>
      %select_n3A_192 = arith.select %gt3A_186, %get3A_181, %select_n3A_173 : vector<8x1024xi1>, vector<8x1024xf32>
      %select_n3A_193 = arith.select %gt3A_186, %broadcast_in_dim3A_185, %select_n3A_174 : vector<8x1024xi1>, vector<8x1024xi32>
      %scan3A_194 = arith.constant 8 : i32
      %scan3A_195 = arith.addi %scan3A_44, %scan3A_194 : i32
      %mul3A_196 = arith.constant 8 : i32
      %mul3A_197 = arith.muli %scan3A_195, %mul3A_196 : i32
      %get3A_198 = arith.index_cast %mul3A_197 : i32 to index
      %get3A_199 = arith.constant 0 : index
      %get3A_200 = vector.load %arg4[%get3A_198, %get3A_199] : memref<2000x1024xf32, #tpu.memory_space<vmem>>, vector<8x1024xf32>
      %mul3A_201 = arith.constant 250 : i32
      %mul3A_202 = arith.muli %arg0, %mul3A_201 : i32
      %add3A_203 = arith.addi %mul3A_202, %scan3A_195 : i32
      %broadcast_in_dim3A_204 = vector.broadcast %add3A_203 : i32 to vector<8x1024xi32>
      %gt3A_205 = arith.cmpf ogt, %get3A_200, %select_n3A_192 : vector<8x1024xf32>
      %gt3A_206 = arith.cmpf ogt, %get3A_200, %select_n3A_189 : vector<8x1024xf32>
      %select_n3A_207 = arith.select %gt3A_206, %get3A_200, %select_n3A_189 : vector<8x1024xi1>, vector<8x1024xf32>
      %select_n3A_208 = arith.select %gt3A_205, %select_n3A_192, %select_n3A_207 : vector<8x1024xi1>, vector<8x1024xf32>
      %select_n3A_209 = arith.select %gt3A_206, %broadcast_in_dim3A_204, %select_n3A_191 : vector<8x1024xi1>, vector<8x1024xi32>
      %select_n3A_210 = arith.select %gt3A_205, %select_n3A_193, %select_n3A_209 : vector<8x1024xi1>, vector<8x1024xi32>
      %select_n3A_211 = arith.select %gt3A_205, %get3A_200, %select_n3A_192 : vector<8x1024xi1>, vector<8x1024xf32>
      %select_n3A_212 = arith.select %gt3A_205, %broadcast_in_dim3A_204, %select_n3A_193 : vector<8x1024xi1>, vector<8x1024xi32>
      %scan3A_213 = arith.constant 9 : i32
      %scan3A_214 = arith.addi %scan3A_44, %scan3A_213 : i32
      %mul3A_215 = arith.constant 8 : i32
      %mul3A_216 = arith.muli %scan3A_214, %mul3A_215 : i32
      %get3A_217 = arith.index_cast %mul3A_216 : i32 to index
      %get3A_218 = arith.constant 0 : index
      %get3A_219 = vector.load %arg4[%get3A_217, %get3A_218] : memref<2000x1024xf32, #tpu.memory_space<vmem>>, vector<8x1024xf32>
      %mul3A_220 = arith.constant 250 : i32
      %mul3A_221 = arith.muli %arg0, %mul3A_220 : i32
      %add3A_222 = arith.addi %mul3A_221, %scan3A_214 : i32
      %broadcast_in_dim3A_223 = vector.broadcast %add3A_222 : i32 to vector<8x1024xi32>
      %gt3A_224 = arith.cmpf ogt, %get3A_219, %select_n3A_211 : vector<8x1024xf32>
      %gt3A_225 = arith.cmpf ogt, %get3A_219, %select_n3A_208 : vector<8x1024xf32>
      %select_n3A_226 = arith.select %gt3A_225, %get3A_219, %select_n3A_208 : vector<8x1024xi1>, vector<8x1024xf32>
      %select_n3A_227 = arith.select %gt3A_224, %select_n3A_211, %select_n3A_226 : vector<8x1024xi1>, vector<8x1024xf32>
      %select_n3A_228 = arith.select %gt3A_225, %broadcast_in_dim3A_223, %select_n3A_210 : vector<8x1024xi1>, vector<8x1024xi32>
      %select_n3A_229 = arith.select %gt3A_224, %select_n3A_212, %select_n3A_228 : vector<8x1024xi1>, vector<8x1024xi32>
      %select_n3A_230 = arith.select %gt3A_224, %get3A_219, %select_n3A_211 : vector<8x1024xi1>, vector<8x1024xf32>
      %select_n3A_231 = arith.select %gt3A_224, %broadcast_in_dim3A_223, %select_n3A_212 : vector<8x1024xi1>, vector<8x1024xi32>
      %scan3A_232 = arith.constant 10 : i32
      %scan3A_233 = arith.addi %scan3A_44, %scan3A_232 : i32
      %mul3A_234 = arith.constant 8 : i32
      %mul3A_235 = arith.muli %scan3A_233, %mul3A_234 : i32
      %get3A_236 = arith.index_cast %mul3A_235 : i32 to index
      %get3A_237 = arith.constant 0 : index
      %get3A_238 = vector.load %arg4[%get3A_236, %get3A_237] : memref<2000x1024xf32, #tpu.memory_space<vmem>>, vector<8x1024xf32>
      %mul3A_239 = arith.constant 250 : i32
      %mul3A_240 = arith.muli %arg0, %mul3A_239 : i32
      %add3A_241 = arith.addi %mul3A_240, %scan3A_233 : i32
      %broadcast_in_dim3A_242 = vector.broadcast %add3A_241 : i32 to vector<8x1024xi32>
      %gt3A_243 = arith.cmpf ogt, %get3A_238, %select_n3A_230 : vector<8x1024xf32>
      %gt3A_244 = arith.cmpf ogt, %get3A_238, %select_n3A_227 : vector<8x1024xf32>
      %select_n3A_245 = arith.select %gt3A_244, %get3A_238, %select_n3A_227 : vector<8x1024xi1>, vector<8x1024xf32>
      %select_n3A_246 = arith.select %gt3A_243, %select_n3A_230, %select_n3A_245 : vector<8x1024xi1>, vector<8x1024xf32>
      %select_n3A_247 = arith.select %gt3A_244, %broadcast_in_dim3A_242, %select_n3A_229 : vector<8x1024xi1>, vector<8x1024xi32>
      %select_n3A_248 = arith.select %gt3A_243, %select_n3A_231, %select_n3A_247 : vector<8x1024xi1>, vector<8x1024xi32>
      %select_n3A_249 = arith.select %gt3A_243, %get3A_238, %select_n3A_230 : vector<8x1024xi1>, vector<8x1024xf32>
      %select_n3A_250 = arith.select %gt3A_243, %broadcast_in_dim3A_242, %select_n3A_231 : vector<8x1024xi1>, vector<8x1024xi32>
      %scan3A_251 = arith.constant 11 : i32
      %scan3A_252 = arith.addi %scan3A_44, %scan3A_251 : i32
      %mul3A_253 = arith.constant 8 : i32
      %mul3A_254 = arith.muli %scan3A_252, %mul3A_253 : i32
      %get3A_255 = arith.index_cast %mul3A_254 : i32 to index
      %get3A_256 = arith.constant 0 : index
      %get3A_257 = vector.load %arg4[%get3A_255, %get3A_256] : memref<2000x1024xf32, #tpu.memory_space<vmem>>, vector<8x1024xf32>
      %mul3A_258 = arith.constant 250 : i32
      %mul3A_259 = arith.muli %arg0, %mul3A_258 : i32
      %add3A_260 = arith.addi %mul3A_259, %scan3A_252 : i32
      %broadcast_in_dim3A_261 = vector.broadcast %add3A_260 : i32 to vector<8x1024xi32>
      %gt3A_262 = arith.cmpf ogt, %get3A_257, %select_n3A_249 : vector<8x1024xf32>
      %gt3A_263 = arith.cmpf ogt, %get3A_257, %select_n3A_246 : vector<8x1024xf32>
      %select_n3A_264 = arith.select %gt3A_263, %get3A_257, %select_n3A_246 : vector<8x1024xi1>, vector<8x1024xf32>
      %select_n3A_265 = arith.select %gt3A_262, %select_n3A_249, %select_n3A_264 : vector<8x1024xi1>, vector<8x1024xf32>
      %select_n3A_266 = arith.select %gt3A_263, %broadcast_in_dim3A_261, %select_n3A_248 : vector<8x1024xi1>, vector<8x1024xi32>
      %select_n3A_267 = arith.select %gt3A_262, %select_n3A_250, %select_n3A_266 : vector<8x1024xi1>, vector<8x1024xi32>
      %select_n3A_268 = arith.select %gt3A_262, %get3A_257, %select_n3A_249 : vector<8x1024xi1>, vector<8x1024xf32>
      %select_n3A_269 = arith.select %gt3A_262, %broadcast_in_dim3A_261, %select_n3A_250 : vector<8x1024xi1>, vector<8x1024xi32>
      %scan3A_270 = arith.constant 12 : i32
      %scan3A_271 = arith.addi %scan3A_44, %scan3A_270 : i32
      %mul3A_272 = arith.constant 8 : i32
      %mul3A_273 = arith.muli %scan3A_271, %mul3A_272 : i32
      %get3A_274 = arith.index_cast %mul3A_273 : i32 to index
      %get3A_275 = arith.constant 0 : index
      %get3A_276 = vector.load %arg4[%get3A_274, %get3A_275] : memref<2000x1024xf32, #tpu.memory_space<vmem>>, vector<8x1024xf32>
      %mul3A_277 = arith.constant 250 : i32
      %mul3A_278 = arith.muli %arg0, %mul3A_277 : i32
      %add3A_279 = arith.addi %mul3A_278, %scan3A_271 : i32
      %broadcast_in_dim3A_280 = vector.broadcast %add3A_279 : i32 to vector<8x1024xi32>
      %gt3A_281 = arith.cmpf ogt, %get3A_276, %select_n3A_268 : vector<8x1024xf32>
      %gt3A_282 = arith.cmpf ogt, %get3A_276, %select_n3A_265 : vector<8x1024xf32>
      %select_n3A_283 = arith.select %gt3A_282, %get3A_276, %select_n3A_265 : vector<8x1024xi1>, vector<8x1024xf32>
      %select_n3A_284 = arith.select %gt3A_281, %select_n3A_268, %select_n3A_283 : vector<8x1024xi1>, vector<8x1024xf32>
      %select_n3A_285 = arith.select %gt3A_282, %broadcast_in_dim3A_280, %select_n3A_267 : vector<8x1024xi1>, vector<8x1024xi32>
      %select_n3A_286 = arith.select %gt3A_281, %select_n3A_269, %select_n3A_285 : vector<8x1024xi1>, vector<8x1024xi32>
      %select_n3A_287 = arith.select %gt3A_281, %get3A_276, %select_n3A_268 : vector<8x1024xi1>, vector<8x1024xf32>
      %select_n3A_288 = arith.select %gt3A_281, %broadcast_in_dim3A_280, %select_n3A_269 : vector<8x1024xi1>, vector<8x1024xi32>
      %scan3A_289 = arith.constant 13 : i32
      %scan3A_290 = arith.addi %scan3A_44, %scan3A_289 : i32
      %mul3A_291 = arith.constant 8 : i32
      %mul3A_292 = arith.muli %scan3A_290, %mul3A_291 : i32
      %get3A_293 = arith.index_cast %mul3A_292 : i32 to index
      %get3A_294 = arith.constant 0 : index
      %get3A_295 = vector.load %arg4[%get3A_293, %get3A_294] : memref<2000x1024xf32, #tpu.memory_space<vmem>>, vector<8x1024xf32>
      %mul3A_296 = arith.constant 250 : i32
      %mul3A_297 = arith.muli %arg0, %mul3A_296 : i32
      %add3A_298 = arith.addi %mul3A_297, %scan3A_290 : i32
      %broadcast_in_dim3A_299 = vector.broadcast %add3A_298 : i32 to vector<8x1024xi32>
      %gt3A_300 = arith.cmpf ogt, %get3A_295, %select_n3A_287 : vector<8x1024xf32>
      %gt3A_301 = arith.cmpf ogt, %get3A_295, %select_n3A_284 : vector<8x1024xf32>
      %select_n3A_302 = arith.select %gt3A_301, %get3A_295, %select_n3A_284 : vector<8x1024xi1>, vector<8x1024xf32>
      %select_n3A_303 = arith.select %gt3A_300, %select_n3A_287, %select_n3A_302 : vector<8x1024xi1>, vector<8x1024xf32>
      %select_n3A_304 = arith.select %gt3A_301, %broadcast_in_dim3A_299, %select_n3A_286 : vector<8x1024xi1>, vector<8x1024xi32>
      %select_n3A_305 = arith.select %gt3A_300, %select_n3A_288, %select_n3A_304 : vector<8x1024xi1>, vector<8x1024xi32>
      %select_n3A_306 = arith.select %gt3A_300, %get3A_295, %select_n3A_287 : vector<8x1024xi1>, vector<8x1024xf32>
      %select_n3A_307 = arith.select %gt3A_300, %broadcast_in_dim3A_299, %select_n3A_288 : vector<8x1024xi1>, vector<8x1024xi32>
      %scan3A_308 = arith.constant 14 : i32
      %scan3A_309 = arith.addi %scan3A_44, %scan3A_308 : i32
      %mul3A_310 = arith.constant 8 : i32
      %mul3A_311 = arith.muli %scan3A_309, %mul3A_310 : i32
      %get3A_312 = arith.index_cast %mul3A_311 : i32 to index
      %get3A_313 = arith.constant 0 : index
      %get3A_314 = vector.load %arg4[%get3A_312, %get3A_313] : memref<2000x1024xf32, #tpu.memory_space<vmem>>, vector<8x1024xf32>
      %mul3A_315 = arith.constant 250 : i32
      %mul3A_316 = arith.muli %arg0, %mul3A_315 : i32
      %add3A_317 = arith.addi %mul3A_316, %scan3A_309 : i32
      %broadcast_in_dim3A_318 = vector.broadcast %add3A_317 : i32 to vector<8x1024xi32>
      %gt3A_319 = arith.cmpf ogt, %get3A_314, %select_n3A_306 : vector<8x1024xf32>
      %gt3A_320 = arith.cmpf ogt, %get3A_314, %select_n3A_303 : vector<8x1024xf32>
      %select_n3A_321 = arith.select %gt3A_320, %get3A_314, %select_n3A_303 : vector<8x1024xi1>, vector<8x1024xf32>
      %select_n3A_322 = arith.select %gt3A_319, %select_n3A_306, %select_n3A_321 : vector<8x1024xi1>, vector<8x1024xf32>
      %select_n3A_323 = arith.select %gt3A_320, %broadcast_in_dim3A_318, %select_n3A_305 : vector<8x1024xi1>, vector<8x1024xi32>
      %select_n3A_324 = arith.select %gt3A_319, %select_n3A_307, %select_n3A_323 : vector<8x1024xi1>, vector<8x1024xi32>
      %select_n3A_325 = arith.select %gt3A_319, %get3A_314, %select_n3A_306 : vector<8x1024xi1>, vector<8x1024xf32>
      %select_n3A_326 = arith.select %gt3A_319, %broadcast_in_dim3A_318, %select_n3A_307 : vector<8x1024xi1>, vector<8x1024xi32>
      %scan3A_327 = arith.constant 15 : i32
      %scan3A_328 = arith.addi %scan3A_44, %scan3A_327 : i32
      %mul3A_329 = arith.constant 8 : i32
      %mul3A_330 = arith.muli %scan3A_328, %mul3A_329 : i32
      %get3A_331 = arith.index_cast %mul3A_330 : i32 to index
      %get3A_332 = arith.constant 0 : index
      %get3A_333 = vector.load %arg4[%get3A_331, %get3A_332] : memref<2000x1024xf32, #tpu.memory_space<vmem>>, vector<8x1024xf32>
      %mul3A_334 = arith.constant 250 : i32
      %mul3A_335 = arith.muli %arg0, %mul3A_334 : i32
      %add3A_336 = arith.addi %mul3A_335, %scan3A_328 : i32
      %broadcast_in_dim3A_337 = vector.broadcast %add3A_336 : i32 to vector<8x1024xi32>
      %gt3A_338 = arith.cmpf ogt, %get3A_333, %select_n3A_325 : vector<8x1024xf32>
      %gt3A_339 = arith.cmpf ogt, %get3A_333, %select_n3A_322 : vector<8x1024xf32>
      %select_n3A_340 = arith.select %gt3A_339, %get3A_333, %select_n3A_322 : vector<8x1024xi1>, vector<8x1024xf32>
      %select_n3A_341 = arith.select %gt3A_338, %select_n3A_325, %select_n3A_340 : vector<8x1024xi1>, vector<8x1024xf32>
      %select_n3A_342 = arith.select %gt3A_339, %broadcast_in_dim3A_337, %select_n3A_324 : vector<8x1024xi1>, vector<8x1024xi32>
      %select_n3A_343 = arith.select %gt3A_338, %select_n3A_326, %select_n3A_342 : vector<8x1024xi1>, vector<8x1024xi32>
      %select_n3A_344 = arith.select %gt3A_338, %get3A_333, %select_n3A_325 : vector<8x1024xi1>, vector<8x1024xf32>
      %select_n3A_345 = arith.select %gt3A_338, %broadcast_in_dim3A_337, %select_n3A_326 : vector<8x1024xi1>, vector<8x1024xi32>
      %scan3A_346 = arith.constant 16 : i32
      %scan3A_347 = arith.addi %scan3A_44, %scan3A_346 : i32
      %mul3A_348 = arith.constant 8 : i32
      %mul3A_349 = arith.muli %scan3A_347, %mul3A_348 : i32
      %get3A_350 = arith.index_cast %mul3A_349 : i32 to index
      %get3A_351 = arith.constant 0 : index
      %get3A_352 = vector.load %arg4[%get3A_350, %get3A_351] : memref<2000x1024xf32, #tpu.memory_space<vmem>>, vector<8x1024xf32>
      %mul3A_353 = arith.constant 250 : i32
      %mul3A_354 = arith.muli %arg0, %mul3A_353 : i32
      %add3A_355 = arith.addi %mul3A_354, %scan3A_347 : i32
      %broadcast_in_dim3A_356 = vector.broadcast %add3A_355 : i32 to vector<8x1024xi32>
      %gt3A_357 = arith.cmpf ogt, %get3A_352, %select_n3A_344 : vector<8x1024xf32>
      %gt3A_358 = arith.cmpf ogt, %get3A_352, %select_n3A_341 : vector<8x1024xf32>
      %select_n3A_359 = arith.select %gt3A_358, %get3A_352, %select_n3A_341 : vector<8x1024xi1>, vector<8x1024xf32>
      %select_n3A_360 = arith.select %gt3A_357, %select_n3A_344, %select_n3A_359 : vector<8x1024xi1>, vector<8x1024xf32>
      %select_n3A_361 = arith.select %gt3A_358, %broadcast_in_dim3A_356, %select_n3A_343 : vector<8x1024xi1>, vector<8x1024xi32>
      %select_n3A_362 = arith.select %gt3A_357, %select_n3A_345, %select_n3A_361 : vector<8x1024xi1>, vector<8x1024xi32>
      %select_n3A_363 = arith.select %gt3A_357, %get3A_352, %select_n3A_344 : vector<8x1024xi1>, vector<8x1024xf32>
      %select_n3A_364 = arith.select %gt3A_357, %broadcast_in_dim3A_356, %select_n3A_345 : vector<8x1024xi1>, vector<8x1024xi32>
      %scan3A_365 = arith.constant 17 : i32
      %scan3A_366 = arith.addi %scan3A_44, %scan3A_365 : i32
      %mul3A_367 = arith.constant 8 : i32
      %mul3A_368 = arith.muli %scan3A_366, %mul3A_367 : i32
      %get3A_369 = arith.index_cast %mul3A_368 : i32 to index
      %get3A_370 = arith.constant 0 : index
      %get3A_371 = vector.load %arg4[%get3A_369, %get3A_370] : memref<2000x1024xf32, #tpu.memory_space<vmem>>, vector<8x1024xf32>
      %mul3A_372 = arith.constant 250 : i32
      %mul3A_373 = arith.muli %arg0, %mul3A_372 : i32
      %add3A_374 = arith.addi %mul3A_373, %scan3A_366 : i32
      %broadcast_in_dim3A_375 = vector.broadcast %add3A_374 : i32 to vector<8x1024xi32>
      %gt3A_376 = arith.cmpf ogt, %get3A_371, %select_n3A_363 : vector<8x1024xf32>
      %gt3A_377 = arith.cmpf ogt, %get3A_371, %select_n3A_360 : vector<8x1024xf32>
      %select_n3A_378 = arith.select %gt3A_377, %get3A_371, %select_n3A_360 : vector<8x1024xi1>, vector<8x1024xf32>
      %select_n3A_379 = arith.select %gt3A_376, %select_n3A_363, %select_n3A_378 : vector<8x1024xi1>, vector<8x1024xf32>
      %select_n3A_380 = arith.select %gt3A_377, %broadcast_in_dim3A_375, %select_n3A_362 : vector<8x1024xi1>, vector<8x1024xi32>
      %select_n3A_381 = arith.select %gt3A_376, %select_n3A_364, %select_n3A_380 : vector<8x1024xi1>, vector<8x1024xi32>
      %select_n3A_382 = arith.select %gt3A_376, %get3A_371, %select_n3A_363 : vector<8x1024xi1>, vector<8x1024xf32>
      %select_n3A_383 = arith.select %gt3A_376, %broadcast_in_dim3A_375, %select_n3A_364 : vector<8x1024xi1>, vector<8x1024xi32>
      %scan3A_384 = arith.constant 18 : i32
      %scan3A_385 = arith.addi %scan3A_44, %scan3A_384 : i32
      %mul3A_386 = arith.constant 8 : i32
      %mul3A_387 = arith.muli %scan3A_385, %mul3A_386 : i32
      %get3A_388 = arith.index_cast %mul3A_387 : i32 to index
      %get3A_389 = arith.constant 0 : index
      %get3A_390 = vector.load %arg4[%get3A_388, %get3A_389] : memref<2000x1024xf32, #tpu.memory_space<vmem>>, vector<8x1024xf32>
      %mul3A_391 = arith.constant 250 : i32
      %mul3A_392 = arith.muli %arg0, %mul3A_391 : i32
      %add3A_393 = arith.addi %mul3A_392, %scan3A_385 : i32
      %broadcast_in_dim3A_394 = vector.broadcast %add3A_393 : i32 to vector<8x1024xi32>
      %gt3A_395 = arith.cmpf ogt, %get3A_390, %select_n3A_382 : vector<8x1024xf32>
      %gt3A_396 = arith.cmpf ogt, %get3A_390, %select_n3A_379 : vector<8x1024xf32>
      %select_n3A_397 = arith.select %gt3A_396, %get3A_390, %select_n3A_379 : vector<8x1024xi1>, vector<8x1024xf32>
      %select_n3A_398 = arith.select %gt3A_395, %select_n3A_382, %select_n3A_397 : vector<8x1024xi1>, vector<8x1024xf32>
      %select_n3A_399 = arith.select %gt3A_396, %broadcast_in_dim3A_394, %select_n3A_381 : vector<8x1024xi1>, vector<8x1024xi32>
      %select_n3A_400 = arith.select %gt3A_395, %select_n3A_383, %select_n3A_399 : vector<8x1024xi1>, vector<8x1024xi32>
      %select_n3A_401 = arith.select %gt3A_395, %get3A_390, %select_n3A_382 : vector<8x1024xi1>, vector<8x1024xf32>
      %select_n3A_402 = arith.select %gt3A_395, %broadcast_in_dim3A_394, %select_n3A_383 : vector<8x1024xi1>, vector<8x1024xi32>
      %scan3A_403 = arith.constant 19 : i32
      %scan3A_404 = arith.addi %scan3A_44, %scan3A_403 : i32
      %mul3A_405 = arith.constant 8 : i32
      %mul3A_406 = arith.muli %scan3A_404, %mul3A_405 : i32
      %get3A_407 = arith.index_cast %mul3A_406 : i32 to index
      %get3A_408 = arith.constant 0 : index
      %get3A_409 = vector.load %arg4[%get3A_407, %get3A_408] : memref<2000x1024xf32, #tpu.memory_space<vmem>>, vector<8x1024xf32>
      %mul3A_410 = arith.constant 250 : i32
      %mul3A_411 = arith.muli %arg0, %mul3A_410 : i32
      %add3A_412 = arith.addi %mul3A_411, %scan3A_404 : i32
      %broadcast_in_dim3A_413 = vector.broadcast %add3A_412 : i32 to vector<8x1024xi32>
      %gt3A_414 = arith.cmpf ogt, %get3A_409, %select_n3A_401 : vector<8x1024xf32>
      %gt3A_415 = arith.cmpf ogt, %get3A_409, %select_n3A_398 : vector<8x1024xf32>
      %select_n3A_416 = arith.select %gt3A_415, %get3A_409, %select_n3A_398 : vector<8x1024xi1>, vector<8x1024xf32>
      %select_n3A_417 = arith.select %gt3A_414, %select_n3A_401, %select_n3A_416 : vector<8x1024xi1>, vector<8x1024xf32>
      %select_n3A_418 = arith.select %gt3A_415, %broadcast_in_dim3A_413, %select_n3A_400 : vector<8x1024xi1>, vector<8x1024xi32>
      %select_n3A_419 = arith.select %gt3A_414, %select_n3A_402, %select_n3A_418 : vector<8x1024xi1>, vector<8x1024xi32>
      %select_n3A_420 = arith.select %gt3A_414, %get3A_409, %select_n3A_401 : vector<8x1024xi1>, vector<8x1024xf32>
      %select_n3A_421 = arith.select %gt3A_414, %broadcast_in_dim3A_413, %select_n3A_402 : vector<8x1024xi1>, vector<8x1024xi32>
      %scan3A_422 = arith.constant 20 : i32
      %scan3A_423 = arith.addi %scan3A_44, %scan3A_422 : i32
      %mul3A_424 = arith.constant 8 : i32
      %mul3A_425 = arith.muli %scan3A_423, %mul3A_424 : i32
      %get3A_426 = arith.index_cast %mul3A_425 : i32 to index
      %get3A_427 = arith.constant 0 : index
      %get3A_428 = vector.load %arg4[%get3A_426, %get3A_427] : memref<2000x1024xf32, #tpu.memory_space<vmem>>, vector<8x1024xf32>
      %mul3A_429 = arith.constant 250 : i32
      %mul3A_430 = arith.muli %arg0, %mul3A_429 : i32
      %add3A_431 = arith.addi %mul3A_430, %scan3A_423 : i32
      %broadcast_in_dim3A_432 = vector.broadcast %add3A_431 : i32 to vector<8x1024xi32>
      %gt3A_433 = arith.cmpf ogt, %get3A_428, %select_n3A_420 : vector<8x1024xf32>
      %gt3A_434 = arith.cmpf ogt, %get3A_428, %select_n3A_417 : vector<8x1024xf32>
      %select_n3A_435 = arith.select %gt3A_434, %get3A_428, %select_n3A_417 : vector<8x1024xi1>, vector<8x1024xf32>
      %select_n3A_436 = arith.select %gt3A_433, %select_n3A_420, %select_n3A_435 : vector<8x1024xi1>, vector<8x1024xf32>
      %select_n3A_437 = arith.select %gt3A_434, %broadcast_in_dim3A_432, %select_n3A_419 : vector<8x1024xi1>, vector<8x1024xi32>
      %select_n3A_438 = arith.select %gt3A_433, %select_n3A_421, %select_n3A_437 : vector<8x1024xi1>, vector<8x1024xi32>
      %select_n3A_439 = arith.select %gt3A_433, %get3A_428, %select_n3A_420 : vector<8x1024xi1>, vector<8x1024xf32>
      %select_n3A_440 = arith.select %gt3A_433, %broadcast_in_dim3A_432, %select_n3A_421 : vector<8x1024xi1>, vector<8x1024xi32>
      %scan3A_441 = arith.constant 21 : i32
      %scan3A_442 = arith.addi %scan3A_44, %scan3A_441 : i32
      %mul3A_443 = arith.constant 8 : i32
      %mul3A_444 = arith.muli %scan3A_442, %mul3A_443 : i32
      %get3A_445 = arith.index_cast %mul3A_444 : i32 to index
      %get3A_446 = arith.constant 0 : index
      %get3A_447 = vector.load %arg4[%get3A_445, %get3A_446] : memref<2000x1024xf32, #tpu.memory_space<vmem>>, vector<8x1024xf32>
      %mul3A_448 = arith.constant 250 : i32
      %mul3A_449 = arith.muli %arg0, %mul3A_448 : i32
      %add3A_450 = arith.addi %mul3A_449, %scan3A_442 : i32
      %broadcast_in_dim3A_451 = vector.broadcast %add3A_450 : i32 to vector<8x1024xi32>
      %gt3A_452 = arith.cmpf ogt, %get3A_447, %select_n3A_439 : vector<8x1024xf32>
      %gt3A_453 = arith.cmpf ogt, %get3A_447, %select_n3A_436 : vector<8x1024xf32>
      %select_n3A_454 = arith.select %gt3A_453, %get3A_447, %select_n3A_436 : vector<8x1024xi1>, vector<8x1024xf32>
      %select_n3A_455 = arith.select %gt3A_452, %select_n3A_439, %select_n3A_454 : vector<8x1024xi1>, vector<8x1024xf32>
      %select_n3A_456 = arith.select %gt3A_453, %broadcast_in_dim3A_451, %select_n3A_438 : vector<8x1024xi1>, vector<8x1024xi32>
      %select_n3A_457 = arith.select %gt3A_452, %select_n3A_440, %select_n3A_456 : vector<8x1024xi1>, vector<8x1024xi32>
      %select_n3A_458 = arith.select %gt3A_452, %get3A_447, %select_n3A_439 : vector<8x1024xi1>, vector<8x1024xf32>
      %select_n3A_459 = arith.select %gt3A_452, %broadcast_in_dim3A_451, %select_n3A_440 : vector<8x1024xi1>, vector<8x1024xi32>
      %scan3A_460 = arith.constant 22 : i32
      %scan3A_461 = arith.addi %scan3A_44, %scan3A_460 : i32
      %mul3A_462 = arith.constant 8 : i32
      %mul3A_463 = arith.muli %scan3A_461, %mul3A_462 : i32
      %get3A_464 = arith.index_cast %mul3A_463 : i32 to index
      %get3A_465 = arith.constant 0 : index
      %get3A_466 = vector.load %arg4[%get3A_464, %get3A_465] : memref<2000x1024xf32, #tpu.memory_space<vmem>>, vector<8x1024xf32>
      %mul3A_467 = arith.constant 250 : i32
      %mul3A_468 = arith.muli %arg0, %mul3A_467 : i32
      %add3A_469 = arith.addi %mul3A_468, %scan3A_461 : i32
      %broadcast_in_dim3A_470 = vector.broadcast %add3A_469 : i32 to vector<8x1024xi32>
      %gt3A_471 = arith.cmpf ogt, %get3A_466, %select_n3A_458 : vector<8x1024xf32>
      %gt3A_472 = arith.cmpf ogt, %get3A_466, %select_n3A_455 : vector<8x1024xf32>
      %select_n3A_473 = arith.select %gt3A_472, %get3A_466, %select_n3A_455 : vector<8x1024xi1>, vector<8x1024xf32>
      %select_n3A_474 = arith.select %gt3A_471, %select_n3A_458, %select_n3A_473 : vector<8x1024xi1>, vector<8x1024xf32>
      %select_n3A_475 = arith.select %gt3A_472, %broadcast_in_dim3A_470, %select_n3A_457 : vector<8x1024xi1>, vector<8x1024xi32>
      %select_n3A_476 = arith.select %gt3A_471, %select_n3A_459, %select_n3A_475 : vector<8x1024xi1>, vector<8x1024xi32>
      %select_n3A_477 = arith.select %gt3A_471, %get3A_466, %select_n3A_458 : vector<8x1024xi1>, vector<8x1024xf32>
      %select_n3A_478 = arith.select %gt3A_471, %broadcast_in_dim3A_470, %select_n3A_459 : vector<8x1024xi1>, vector<8x1024xi32>
      %scan3A_479 = arith.constant 23 : i32
      %scan3A_480 = arith.addi %scan3A_44, %scan3A_479 : i32
      %mul3A_481 = arith.constant 8 : i32
      %mul3A_482 = arith.muli %scan3A_480, %mul3A_481 : i32
      %get3A_483 = arith.index_cast %mul3A_482 : i32 to index
      %get3A_484 = arith.constant 0 : index
      %get3A_485 = vector.load %arg4[%get3A_483, %get3A_484] : memref<2000x1024xf32, #tpu.memory_space<vmem>>, vector<8x1024xf32>
      %mul3A_486 = arith.constant 250 : i32
      %mul3A_487 = arith.muli %arg0, %mul3A_486 : i32
      %add3A_488 = arith.addi %mul3A_487, %scan3A_480 : i32
      %broadcast_in_dim3A_489 = vector.broadcast %add3A_488 : i32 to vector<8x1024xi32>
      %gt3A_490 = arith.cmpf ogt, %get3A_485, %select_n3A_477 : vector<8x1024xf32>
      %gt3A_491 = arith.cmpf ogt, %get3A_485, %select_n3A_474 : vector<8x1024xf32>
      %select_n3A_492 = arith.select %gt3A_491, %get3A_485, %select_n3A_474 : vector<8x1024xi1>, vector<8x1024xf32>
      %select_n3A_493 = arith.select %gt3A_490, %select_n3A_477, %select_n3A_492 : vector<8x1024xi1>, vector<8x1024xf32>
      %select_n3A_494 = arith.select %gt3A_491, %broadcast_in_dim3A_489, %select_n3A_476 : vector<8x1024xi1>, vector<8x1024xi32>
      %select_n3A_495 = arith.select %gt3A_490, %select_n3A_478, %select_n3A_494 : vector<8x1024xi1>, vector<8x1024xi32>
      %select_n3A_496 = arith.select %gt3A_490, %get3A_485, %select_n3A_477 : vector<8x1024xi1>, vector<8x1024xf32>
      %select_n3A_497 = arith.select %gt3A_490, %broadcast_in_dim3A_489, %select_n3A_478 : vector<8x1024xi1>, vector<8x1024xi32>
      %scan3A_498 = arith.constant 24 : i32
      %scan3A_499 = arith.addi %scan3A_44, %scan3A_498 : i32
      %mul3A_500 = arith.constant 8 : i32
      %mul3A_501 = arith.muli %scan3A_499, %mul3A_500 : i32
      %get3A_502 = arith.index_cast %mul3A_501 : i32 to index
      %get3A_503 = arith.constant 0 : index
      %get3A_504 = vector.load %arg4[%get3A_502, %get3A_503] : memref<2000x1024xf32, #tpu.memory_space<vmem>>, vector<8x1024xf32>
      %mul3A_505 = arith.constant 250 : i32
      %mul3A_506 = arith.muli %arg0, %mul3A_505 : i32
      %add3A_507 = arith.addi %mul3A_506, %scan3A_499 : i32
      %broadcast_in_dim3A_508 = vector.broadcast %add3A_507 : i32 to vector<8x1024xi32>
      %gt3A_509 = arith.cmpf ogt, %get3A_504, %select_n3A_496 : vector<8x1024xf32>
      %gt3A_510 = arith.cmpf ogt, %get3A_504, %select_n3A_493 : vector<8x1024xf32>
      %select_n3A_511 = arith.select %gt3A_510, %get3A_504, %select_n3A_493 : vector<8x1024xi1>, vector<8x1024xf32>
      %select_n3A_512 = arith.select %gt3A_509, %select_n3A_496, %select_n3A_511 : vector<8x1024xi1>, vector<8x1024xf32>
      %select_n3A_513 = arith.select %gt3A_510, %broadcast_in_dim3A_508, %select_n3A_495 : vector<8x1024xi1>, vector<8x1024xi32>
      %select_n3A_514 = arith.select %gt3A_509, %select_n3A_497, %select_n3A_513 : vector<8x1024xi1>, vector<8x1024xi32>
      %select_n3A_515 = arith.select %gt3A_509, %get3A_504, %select_n3A_496 : vector<8x1024xi1>, vector<8x1024xf32>
      %select_n3A_516 = arith.select %gt3A_509, %broadcast_in_dim3A_508, %select_n3A_497 : vector<8x1024xi1>, vector<8x1024xi32>
      scf.yield %select_n3A_515, %select_n3A_512, %select_n3A_516, %select_n3A_514 : vector<8x1024xf32>, vector<8x1024xf32>, vector<8x1024xi32>, vector<8x1024xi32>
    }
    %scan3A_26 = arith.constant 250 : i32
    %swap3A_27 = arith.constant 0 : index
    %swap3A_28 = arith.constant 0 : index
    %swap3A_29 = vector.load %arg5[%swap3A_27, %swap3A_28] : memref<8x1024xf32, #tpu.memory_space<vmem>>, vector<8x1024xf32>
    tpu.vector_store %arg5[%swap3A_27, %swap3A_28], %scan3A_25#0 {strides = array<i32>} : memref<8x1024xf32, #tpu.memory_space<vmem>>, vector<8x1024xf32>,
    %swap3A_30 = arith.constant 0 : index
    %swap3A_31 = arith.constant 0 : index
    %swap3A_32 = vector.load %arg6[%swap3A_30, %swap3A_31] : memref<8x1024xf32, #tpu.memory_space<vmem>>, vector<8x1024xf32>
    tpu.vector_store %arg6[%swap3A_30, %swap3A_31], %scan3A_25#1 {strides = array<i32>} : memref<8x1024xf32, #tpu.memory_space<vmem>>, vector<8x1024xf32>,
    %swap3A_33 = arith.constant 0 : index
    %swap3A_34 = arith.constant 0 : index
    %swap3A_35 = vector.load %arg7[%swap3A_33, %swap3A_34] : memref<8x1024xi32, #tpu.memory_space<vmem>>, vector<8x1024xi32>
    tpu.vector_store %arg7[%swap3A_33, %swap3A_34], %scan3A_25#2 {strides = array<i32>} : memref<8x1024xi32, #tpu.memory_space<vmem>>, vector<8x1024xi32>,
    %swap3A_36 = arith.constant 0 : index
    %swap3A_37 = arith.constant 0 : index
    %swap3A_38 = vector.load %arg8[%swap3A_36, %swap3A_37] : memref<8x1024xi32, #tpu.memory_space<vmem>>, vector<8x1024xi32>
    tpu.vector_store %arg8[%swap3A_36, %swap3A_37], %scan3A_25#3 {strides = array<i32>} : memref<8x1024xi32, #tpu.memory_space<vmem>>, vector<8x1024xi32>,
    %eq3A_39 = arith.constant 49 : i32
    %eq3A_40 = arith.cmpi eq, %arg0, %eq3A_39 : i32
    %convert_element_type3A_41 = arith.extui %eq3A_40 : i1 to i32
    %cond3A_42 = arith.constant 0 : i32
    %cond3A_43 = arith.cmpi ne, %convert_element_type3A_41, %cond3A_42 : i32
    scf.if %cond3A_43 {
      %iota3A = tpu.iota {dimensions = array<i32: 0>} : vector<8x1024xi32>
      %mul3A = arith.constant 8 : i32
      %mul3A_44 = vector.broadcast %mul3A : i32 to vector<8x1024xi32>
      %mul3A_45 = arith.muli %scan3A_25#2, %mul3A_44 : vector<8x1024xi32>
      %add3A = arith.addi %mul3A_45, %iota3A : vector<8x1024xi32>
      %mul3A_46 = arith.constant 8 : i32
      %mul3A_47 = vector.broadcast %mul3A_46 : i32 to vector<8x1024xi32>
      %mul3A_48 = arith.muli %scan3A_25#3, %mul3A_47 : vector<8x1024xi32>
      %add3A_49 = arith.addi %mul3A_48, %iota3A : vector<8x1024xi32>
      %reduce_max3A = arith.constant dense<0xFF800000> : vector<1024xf32>
      %reduce_max3A_50 = vector.multi_reduction <maximumf>, %scan3A_25#0, %reduce_max3A [0] : vector<8x1024xf32> to vector<1024xf32>
      %broadcast_in_dim3A = vector.shape_cast %reduce_max3A_50 : vector<1024xf32> to vector<1x1024xf32>
      %eq3A_51 = vector.broadcast %broadcast_in_dim3A : vector<1x1024xf32> to vector<8x1024xf32>
      %eq3A_52 = arith.cmpf oeq, %scan3A_25#0, %eq3A_51 : vector<8x1024xf32>
      %jit3A = arith.constant 1073741824 : i32
      %broadcast_in_dim3A_53 = vector.broadcast %jit3A : i32 to vector<8x1024xi32>
      %select_n3A = arith.select %eq3A_52, %add3A, %broadcast_in_dim3A_53 : vector<8x1024xi1>, vector<8x1024xi32>
      %reduce_min3A = arith.constant dense<2147483647> : vector<1024xi32>
      %reduce_min3A_54 = vector.multi_reduction <minsi>, %select_n3A, %reduce_min3A [0] : vector<8x1024xi32> to vector<1024xi32>
      %broadcast_in_dim3A_55 = vector.shape_cast %reduce_min3A_54 : vector<1024xi32> to vector<1x1024xi32>
      %eq3A_56 = vector.broadcast %broadcast_in_dim3A_55 : vector<1x1024xi32> to vector<8x1024xi32>
      %eq3A_57 = arith.cmpi eq, %add3A, %eq3A_56 : vector<8x1024xi32>
      %select_n3A_58 = arith.select %eq3A_57, %scan3A_25#1, %scan3A_25#0 : vector<8x1024xi1>, vector<8x1024xf32>
      %select_n3A_59 = arith.select %eq3A_57, %add3A_49, %add3A : vector<8x1024xi1>, vector<8x1024xi32>
      %reduce_max3A_60 = arith.constant dense<0xFF800000> : vector<1024xf32>
      %reduce_max3A_61 = vector.multi_reduction <maximumf>, %select_n3A_58, %reduce_max3A_60 [0] : vector<8x1024xf32> to vector<1024xf32>
      %broadcast_in_dim3A_62 = vector.shape_cast %reduce_max3A_61 : vector<1024xf32> to vector<1x1024xf32>
      %eq3A_63 = vector.broadcast %broadcast_in_dim3A_62 : vector<1x1024xf32> to vector<8x1024xf32>
      %eq3A_64 = arith.cmpf oeq, %select_n3A_58, %eq3A_63 : vector<8x1024xf32>
      %jit3A_65 = arith.constant 1073741824 : i32
      %broadcast_in_dim3A_66 = vector.broadcast %jit3A_65 : i32 to vector<8x1024xi32>
      %select_n3A_67 = arith.select %eq3A_64, %select_n3A_59, %broadcast_in_dim3A_66 : vector<8x1024xi1>, vector<8x1024xi32>
      %reduce_min3A_68 = arith.constant dense<2147483647> : vector<1024xi32>
      %reduce_min3A_69 = vector.multi_reduction <minsi>, %select_n3A_67, %reduce_min3A_68 [0] : vector<8x1024xi32> to vector<1024xi32>
      %broadcast_in_dim3A_70 = vector.shape_cast %reduce_min3A_69 : vector<1024xi32> to vector<1x1024xi32>
      %swap3A_71 = arith.constant 0 : index
      %swap3A_72 = arith.constant 0 : index
      %swap3A_73 = vector.load %arg3[%swap3A_71, %swap3A_72] : memref<2x1024xi32, #tpu.memory_space<vmem>>, vector<1x1024xi32>
      tpu.vector_store %arg3[%swap3A_71, %swap3A_72], %broadcast_in_dim3A_55 {strides = array<i32>} : memref<2x1024xi32, #tpu.memory_space<vmem>>, vector<1x1024xi32>,
      %swap3A_74 = arith.constant 1 : index
      %swap3A_75 = arith.constant 0 : index
      %swap3A_76 = vector.load %arg3[%swap3A_74, %swap3A_75] : memref<2x1024xi32, #tpu.memory_space<vmem>>, vector<1x1024xi32>
      tpu.vector_store %arg3[%swap3A_74, %swap3A_75], %broadcast_in_dim3A_70 {strides = array<i32>} : memref<2x1024xi32, #tpu.memory_space<vmem>>, vector<1x1024xi32>,
    } else {
    }
    return
  }
  func.func @transform_0(%arg0: i32) -> (i32, i32) {
    %c0_i32 = arith.constant 0 : i32
    %c0_i32_0 = arith.constant 0 : i32
    %c0_i32_1 = arith.constant 0 : i32
    return %c0_i32, %c0_i32_0 : i32, i32
  }
  func.func @transform_1(%arg0: i32) -> (i32, i32) {
    %c0_i32 = arith.constant 0 : i32
    %c0_i32_0 = arith.constant 0 : i32
    return %arg0, %c0_i32 : i32, i32
  }
  func.func @transform_2(%arg0: i32) -> (i32, i32) {
    %c0_i32 = arith.constant 0 : i32
    %c0_i32_0 = arith.constant 0 : i32
    %c0_i32_1 = arith.constant 0 : i32
    return %c0_i32, %c0_i32_0 : i32, i32
  }
}

module attributes {stable_mosaic.version = 14 : i64} {
  func.func @_loss_body(%arg0: i32, %arg1: memref<1024x32xf32, #tpu.memory_space<vmem>>, %arg2: memref<1024x32xf32, #tpu.memory_space<vmem>>, %arg3: memref<1024x32xf32, #tpu.memory_space<vmem>>, %arg4: memref<1x1xf32, #tpu.memory_space<smem>>) attributes {dimension_semantics = [#tpu.dimension_semantics<arbitrary>], iteration_bounds = array<i64: 1>, scalar_prefetch = 0 : i64, scratch_operands = 0 : i64, tpu.core_type = #tpu.core_type<tc>, window_params = [{pipeline_mode = #tpu.pipeline_mode<synchronous>, transform_indices = @transform_0, window_bounds = array<i64: 1024, 32>}, {transform_indices = @transform_1, window_bounds = array<i64: 1024, 32>}, {transform_indices = @transform_2, window_bounds = array<i64: 1024, 32>}, {transform_indices = @transform_3, window_bounds = array<i64: 1, 1>}]} {
    %get3A = arith.constant 0 : index
    %get3A_0 = arith.constant 0 : index
    %get3A_1 = vector.load %arg1[%get3A, %get3A_0] : memref<1024x32xf32, #tpu.memory_space<vmem>>, vector<1024x32xf32>
    %get3A_2 = arith.constant 0 : index
    %get3A_3 = arith.constant 0 : index
    %get3A_4 = vector.load %arg2[%get3A_2, %get3A_3] : memref<1024x32xf32, #tpu.memory_space<vmem>>, vector<1024x32xf32>
    %sub3A = arith.subf %get3A_1, %get3A_4 : vector<1024x32xf32>
    %add3A = arith.constant 9.99999997E-7 : f32
    %add3A_5 = vector.broadcast %add3A : f32 to vector<1024x32xf32>
    %add3A_6 = arith.addf %sub3A, %add3A_5 : vector<1024x32xf32>
    %integer_pow3A = arith.mulf %add3A_6, %add3A_6 : vector<1024x32xf32>
    %reduce_sum3A = arith.constant dense<0.000000e+00> : vector<1024xf32>
    %reduce_sum3A_7 = vector.multi_reduction <add>, %integer_pow3A, %reduce_sum3A [1] : vector<1024x32xf32> to vector<1024xf32>
    %broadcast_in_dim3A = vector.shape_cast %reduce_sum3A_7 : vector<1024xf32> to vector<1024x1xf32>
    %sqrt3A = math.sqrt %broadcast_in_dim3A : vector<1024x1xf32>
    %get3A_8 = arith.constant 0 : index
    %get3A_9 = arith.constant 0 : index
    %get3A_10 = vector.load %arg3[%get3A_8, %get3A_9] : memref<1024x32xf32, #tpu.memory_space<vmem>>, vector<1024x32xf32>
    %sub3A_11 = arith.subf %get3A_1, %get3A_10 : vector<1024x32xf32>
    %add3A_12 = arith.constant 9.99999997E-7 : f32
    %add3A_13 = vector.broadcast %add3A_12 : f32 to vector<1024x32xf32>
    %add3A_14 = arith.addf %sub3A_11, %add3A_13 : vector<1024x32xf32>
    %integer_pow3A_15 = arith.mulf %add3A_14, %add3A_14 : vector<1024x32xf32>
    %reduce_sum3A_16 = arith.constant dense<0.000000e+00> : vector<1024xf32>
    %reduce_sum3A_17 = vector.multi_reduction <add>, %integer_pow3A_15, %reduce_sum3A_16 [1] : vector<1024x32xf32> to vector<1024xf32>
    %broadcast_in_dim3A_18 = vector.shape_cast %reduce_sum3A_17 : vector<1024xf32> to vector<1024x1xf32>
    %sqrt3A_19 = math.sqrt %broadcast_in_dim3A_18 : vector<1024x1xf32>
    %sub3A_20 = arith.subf %sqrt3A, %sqrt3A_19 : vector<1024x1xf32>
    %add3A_21 = arith.constant 1.000000e+00 : f32
    %add3A_22 = vector.broadcast %add3A_21 : f32 to vector<1024x1xf32>
    %add3A_23 = arith.addf %sub3A_20, %add3A_22 : vector<1024x1xf32>
    %max3A = arith.constant 0.000000e+00 : f32
    %max3A_24 = vector.broadcast %max3A : f32 to vector<1024x1xf32>
    %max3A_25 = arith.maximumf %add3A_23, %max3A_24 : vector<1024x1xf32>
    %reduce_sum3A_26 = vector.shape_cast %max3A_25 : vector<1024x1xf32> to vector<1x1024x1xf32>
    %reduce_sum3A_27 = arith.constant dense<0.000000e+00> : vector<1xf32>
    %reduce_sum3A_28 = vector.multi_reduction <add>, %reduce_sum3A_26, %reduce_sum3A_27 [1, 2] : vector<1x1024x1xf32> to vector<1xf32>
    %reduce_sum3A_29 = vector.shape_cast %reduce_sum3A_28 : vector<1xf32> to vector<1x1x1xf32>
    %reduce_sum3A_30 = vector.extract %reduce_sum3A_29[0, 0, 0] : f32 from vector<1x1x1xf32>
    %mul3A = arith.constant 9.765625E-4 : f32
    %mul3A_31 = arith.mulf %reduce_sum3A_30, %mul3A : f32
    %swap3A = arith.constant 0 : index
    %swap3A_32 = arith.constant 0 : index
    %swap3A_33 = memref.load %arg4[%swap3A, %swap3A_32] : memref<1x1xf32, #tpu.memory_space<smem>>
    memref.store %mul3A_31, %arg4[%swap3A, %swap3A_32] : memref<1x1xf32, #tpu.memory_space<smem>>
    return
  }
  func.func @transform_0(%arg0: i32) -> (i32, i32) {
    %c0_i32 = arith.constant 0 : i32
    %c0_i32_0 = arith.constant 0 : i32
    %c0_i32_1 = arith.constant 0 : i32
    return %c0_i32, %c0_i32_0 : i32, i32
  }
  func.func @transform_1(%arg0: i32) -> (i32, i32) {
    %c0_i32 = arith.constant 0 : i32
    %c0_i32_0 = arith.constant 0 : i32
    %c0_i32_1 = arith.constant 0 : i32
    return %c0_i32, %c0_i32_0 : i32, i32
  }
  func.func @transform_2(%arg0: i32) -> (i32, i32) {
    %c1_i32 = arith.constant 1 : i32
    %c0_i32 = arith.constant 0 : i32
    %c0_i32_0 = arith.constant 0 : i32
    return %c1_i32, %c0_i32 : i32, i32
  }
  func.func @transform_3(%arg0: i32) -> (i32, i32) {
    %c0_i32 = arith.constant 0 : i32
    %c0_i32_0 = arith.constant 0 : i32
    %c0_i32_1 = arith.constant 0 : i32
    return %c0_i32, %c0_i32_0 : i32, i32
  }
}

</mosaic_0001>

<sc_bundles>
// kernel: kernel.5.cloned.1.call-start
scs
__scs_entry_jumppad:
0x0: {  	(pc) =	sbr.rel $0x88, $3  }
0x1: {  	(tag) =	ssettag $0x0;
	lr =	simm.s32 $0x1  }
0x2: {  	[smem:$0x3F9F] =	sst lr;
	_ =	strace $0xD0000000  }
0x3: {  	_ = 	snop  }
0x4: {  	_ = 	snop  }
0x5: {  	_ = 	snop  }
0x6: {  	_ = 	snop  }
0x7: {  	_ = 	snop  }
__scs_overlays_trampoline_lowered:
0x8: {  	[smem:$0x3FAE] =	sst s0  }
0x9: {  	[smem:$0x3FAF] =	sst s1  }
0xa: {  	[smem:$0x3FB0] =	sst s2  }
0xb: {  	[smem:$0x3FB1] =	sst s3  }
0xc: {  	[smem:$0x3FB2] =	sst s4  }
0xd: {  	[smem:$0x3FB3] =	sst s5  }
0xe: {  	[smem:$0x3FB4] =	sst s6  }
0xf: {  	[smem:$0x3FB5] =	sst s7  }
0x10: {  	[smem:$0x3FB6] =	sst s8  }
0x11: {  	[smem:$0x3FB7] =	sst s9;
	s0 =	simm.s32 @!p0 $0x0  }
0x12: {  	s1 =	sld [smem:$0x3F9D];
	s0 =	simm.s32 @p0 $0x1  }
0x13: {  	[smem:$0x3FB8] =	sst s0;
	s0 =	simm.s32 @!p1 $0x0  }
0x14: {  	s2 =	sld [smem:$0x3F9C];
	s0 =	simm.s32 @p1 $0x1  }
0x15: {  	[smem:$0x3FB9] =	sst s0;
	s0 =	simm.s32 @!p2 $0x0  }
0x16: {  	s3 =	sld [smem:$0x3FDB];
	s0 =	simm.s32 @p2 $0x1  }
0x17: {  	s4 =	simm.s32 $0x1BF5;
	[smem:$0x3FBB] =	sst s0  }
0x18: {  	s0 =	sld [smem:$0x3F9E];
	_ =	swait.ge [sflag:s4], $0x0  }
0x19: {  	s7 =	sld [smem:$0x3F9F]  }
0x1a: {  	s8 =	sadd.s32 $0xFFFFE003, lr  }
0x1b: {  	s9 =	sadd.s32 $0xFFFFFEF7, lr;
	s5 =	simm.s32 $0xFFFFFFFF;
	p2 =	slt.u32 s8, $0xFFFFF086  }
0x1c: {  	p1 =	slt.u32 s9, $0xF7A;
	s5 =	simm.s32 @!p2 $0x0  }
0x1d: {  	s5 =	simm.s32 @p1 $0x1;
	p0 =	seq.s32 s7, s2  }
0x1e: {  	s7 =	smul.u32 @!p0 $0xF7A, s2;
	p2 =	seq.s32 @!p0 s5, $0x0  }
0x1f: {  	s9 =	smul.u32 $0xF7A, s1;
	s8 =	simm.s32 @!p0 $0x1BF5;
	p2 =	por !p2, p0  }
0x20: {  	[sflag:s8] =	ssyncset.s32 @!p0 $0xFFFFF086;
	s6 =	sadd.s32 @!p0 s3, s7;
	s7 =	simm.s32 @!p0 $0x108  }
0x21: {  	s3 =	sadd.s32 s3, s9;
	s6 =	sadd.s32 @!p0 $0x88, s6;
	s7 =	simm.s32 @p2 $0x1082  }
0x22: {  	[simem:s7], [sflag:s8] =	dma.local @!p0 [hbm:s6], $0xF7A  }
0x23: {  	s9 =	sor.u32 $0xD0000000, s2;
	s6 =	simm.s32 $0x108;
	_ =	swait.ge @!p0 [sflag:s8], $0x0  }
0x24: {  	s3 =	sadd.s32 $0x88, s3;
	s6 =	simm.s32 @!p1 $0x1082;
	[sflag:s4] =	ssyncset.s32 $0xFFFFF086  }
0x25: {  	[simem:s6], [sflag:s4] =	dma.local [hbm:s3], $0xF7A  }
0x26: {  	[smem:$0x3F9F] =	sst s1;
	(tag) =	ssettag s2;
	_ =	strace s9  }
0x27: {  	s1 =	sld [smem:$0x3FAF]  }
0x28: {  	s2 =	sld [smem:$0x3FB0]  }
0x29: {  	s4 =	sld [smem:$0x3FB2]  }
0x2a: {  	p0 =	seq.s32 s5, $0x0;
	s5 =	sld [smem:$0x3FB3]  }
0x2b: {  	s6 =	sld [smem:$0x3FB4]  }
0x2c: {  	s7 =	sld [smem:$0x3FB5]  }
0x2d: {  	s3 =	simm.s32 $0x108;
	s8 =	sld [smem:$0x3FB6]  }
0x2e: {  	s3 =	simm.s32 @!p0 $0x1082;
	s9 =	sld [smem:$0x3FB7]  }
0x2f: {  	lr =	sadd.s32 s0, s3;
	s0 =	sld [smem:$0x3FAE]  }
0x30: {  	s3 =	sld [smem:$0x3FB1]  }
0x31: {  	[smem:$0x3FBA] =	sst s10  }
0x32: {  	s10 =	sld [smem:$0x3FB8];
	_ =	sdelay $0x3  }
0x33: {  	p0 =	seq.s32 s10, $0x1;
	s10 =	sld [smem:$0x3FBA];
	_ =	sdelay $0x3  }
0x34: {  	[smem:$0x3FBA] =	sst s10  }
0x35: {  	s10 =	sld [smem:$0x3FB9];
	_ =	sdelay $0x3  }
0x36: {  	p1 =	seq.s32 s10, $0x1;
	s10 =	sld [smem:$0x3FBA];
	_ =	sdelay $0x3  }
0x37: {  	[smem:$0x3FBA] =	sst s10  }
0x38: {  	s10 =	sld [smem:$0x3FBB]  }
0x39: {  	_ = 	snop;
	(pc) =	sbr.ind lr, $3  }
0x3a: {  	_ = 	snop  }
0x3b: {  	_ = 	snop  }
0x3c: {  	p2 =	seq.s32 s10, $0x1;
	s10 =	sld [smem:$0x3FBA]  }
0x3d: {  	_ =	shalt  }
0x3e: {  	_ =	shalt  }
0x3f: {  	_ =	shalt  }
0x40: {  	_ =	shalt  }
0x41: {  	_ =	shalt  }
0x42: {  	_ =	shalt  }
0x43: {  	_ =	shalt  }
0x44: {  	_ =	shalt  }
0x45: {  	_ =	shalt  }
0x46: {  	_ =	shalt  }
0x47: {  	_ =	shalt  }
0x48: {  	_ =	shalt  }
0x49: {  	_ =	shalt  }
0x4a: {  	_ =	shalt  }
0x4b: {  	_ =	shalt  }
0x4c: {  	_ =	shalt  }
0x4d: {  	_ =	shalt  }
0x4e: {  	_ =	shalt  }
0x4f: {  	_ =	shalt  }
0x50: {  	_ =	shalt  }
0x51: {  	_ =	shalt  }
0x52: {  	_ =	shalt  }
0x53: {  	_ =	shalt  }
0x54: {  	_ =	shalt  }
0x55: {  	_ =	shalt  }
0x56: {  	_ =	shalt  }
0x57: {  	_ =	shalt  }
0x58: {  	_ =	shalt  }
0x59: {  	_ =	shalt  }
0x5a: {  	_ =	shalt  }
0x5b: {  	_ =	shalt  }
0x5c: {  	_ =	shalt  }
0x5d: {  	_ =	shalt  }
0x5e: {  	_ =	shalt  }
0x5f: {  	_ =	shalt  }
0x60: {  	_ =	shalt  }
0x61: {  	_ =	shalt  }
0x62: {  	_ =	shalt  }
0x63: {  	_ =	shalt  }
0x64: {  	_ =	shalt  }
0x65: {  	_ =	shalt  }
0x66: {  	_ =	shalt  }
0x67: {  	_ =	shalt  }
0x68: {  	_ =	shalt  }
0x69: {  	_ =	shalt  }
0x6a: {  	_ =	shalt  }
0x6b: {  	_ =	shalt  }
0x6c: {  	_ =	shalt  }
0x6d: {  	_ =	shalt  }
0x6e: {  	_ =	shalt  }
0x6f: {  	_ =	shalt  }
0x70: {  	_ =	shalt  }
0x71: {  	_ =	shalt  }
0x72: {  	_ =	shalt  }
0x73: {  	_ =	shalt  }
0x74: {  	_ =	shalt  }
0x75: {  	_ =	shalt  }
0x76: {  	_ =	shalt  }
0x77: {  	_ =	shalt  }
0x78: {  	_ =	shalt  }
0x79: {  	_ =	shalt  }
0x7a: {  	_ =	shalt  }
0x7b: {  	_ =	shalt  }
0x7c: {  	_ =	shalt  }
0x7d: {  	_ =	shalt  }
0x7e: {  	_ =	shalt  }
0x7f: {  	_ =	shalt  }
0x80: {  	_ =	shalt  }
0x81: {  	_ =	shalt  }
0x82: {  	_ =	shalt  }
0x83: {  	_ =	shalt  }
0x84: {  	_ =	shalt  }
0x85: {  	_ =	shalt  }
0x86: {  	_ =	shalt  }
0x87: {  	_ =	shalt  }
.Lfunc_end0:
.L_simem_size_0:
called_computation_lowered:
.L_overlay_start_0:
0x88: {  	s2 =	sld [smem:$0x3FD9]  }
0x89: {  	s3 =	sld [smem:$0x3FFE];
	_ =	sdelay $0x1  }
0x8a: {  	s1 =	srdreg.scid  }
0x8b: {  	s0 =	sand.u32 $0x1, s1  }
0x8c: {  	s16 =	sshll.u32 s0, $0xA;
	s2 =	sadd.s32 s3, s2  }
0x8d: {  	s2 =	sadd.s32 s2, s16  }
0x8e: {  	[smem:$0x3FC6] =	sst s2  }
0x8f: {  	_ = 	snop  }
0x90: {  	(tm) =	ssettm $0x1  }
0x91: {  	s17 =	sld [smem:$0x3FFB];
	_ =	sdelay $0x3  }
0x92: {  	_ =	strace s17  }
0x93: {  	s2 =	sld [smem:$0x3FFC];
	_ =	sdelay $0x3  }
0x94: {  	_ =	strace s2  }
0x95: {  	s2 =	sld [smem:$0x3FFD];
	_ =	sdelay $0x3  }
0x96: {  	_ =	strace s2  }
0x97: {  	_ =	strace $0x8FFFFFFF  }
0x98: {  	s18 =	sld [smem:$0x3FDB];
	_ =	sdelay $0x1  }
0x99: {  	s19 =	simm.s32 $_scs_section_size  }
0x9a: {  	s4 =	simm.s32 $_size__tile_overlayer_lowered;
	s5 =	simm.s32 $_tile_overlayer_lowered  }
0x9b: {  	s22 =	simm.s32 $0x1BFF;
	s21 =	sshll.u32 s5, $0x1;
	s2 =	sadd.s32 s19, s18  }
0x9c: {  	s6 =	simm.s32 $0x0;
	s20 =	sshll.u32 s4, $0x1;
	s4 =	sadd.s32 s21, s2  }
0x9d: {  	[timem:s6], [sflag:s22] =	dma.local [hbm:s4], s20  }
0x9e: {  	_ =	swait.ge [sflag:s22], s20  }
0x9f: {  	s3 =	ssub.s32 $0x0, s20;
	[sflag:s22] =	ssyncset.done $0x0  }
0xa0: {  	[sflag:s22] =	ssyncadd.s32 s3;
	_ =	sdelay $0x1  }
0xa1: {  	s23 =	simm.s32 $0x1B8B  }
0xa2: {  	_ =	swait.ge [sflag:s23], $0x1  }
0xa3: {  	[sflag:s23] =	ssyncset.done $0x0  }
0xa4: {  	s25 =	simm.s32 $0x1B8E;
	s24 =	sld [smem:$0x3FFE];
	[sflag:s23] =	ssyncadd.s32 $0xFFFFFFFF  }
0xa5: {  	s26 =	simm.s32 $execute0_lowered;
	[smem:$0x3FD2] =	sst s25  }
0xa6: {  	s4 =	sshll.u32 s26, $0x1;
	_ =	strace $0x80000046;
	[dreg:$0x1] =	wrdreg $0xFFFFFFFF  }
0xa7: {  	s28 =	simm.s32 $_size_execute0_lowered;
	s2 =	sadd.s32 s2, s4;
	[dreg:$0x0] =	wrdreg $0x0  }
0xa8: {  	s4 =	sshll.u32 s28, $0x1;
	[dreg:$0x2] =	wrdreg s2  }
0xa9: {  	[dreg:$0x3] =	wrdreg s4  }
0xaa: {  	[dreg:$0x4] =	wrdreg $0xC0  }
0xab: {  	_ =	task [dreg:s6], $0x5FFFF  }
0xac: {  	[dreg:$0x1] =	wrdreg $0xFFFFFFFF  }
0xad: {  	[dreg:$0x0] =	wrdreg $0x60  }
0xae: {  	[dreg:$0x2] =	wrdreg s24  }
0xaf: {  	[dreg:$0x3] =	wrdreg $0x9  }
0xb0: {  	_ =	task.clear_ibuf [dreg:s6], $0x4FFFF;
	_ =	strace $0x90000046  }
0xb1: {  	s29 =	simm.s32 $0x9;
	_ =	strace $0x80000048  }
0xb2: {  	_ =	swait.ge [sflag:s29], $0x1  }
0xb3: {  	[sflag:s29] =	ssyncadd.s32 $0xFFFFFFFF  }
0xb4: {  	_ =	strace $0x90000048  }
0xb5: {  	_ =	sfence  }
0xb6: {  	s30 =	sld [smem:$0x0];
	_ =	sdelay $0x2  }
0xb7: {  	s31 =	sshll.u32 s1, $0xD;
	s1 =	sshrl.u32 s1, $0x2  }
0xb8: {  	s3 =	sand.u32 $0x4000, s31;
	s1 =	sadd.s32 s1, s30  }
0xb9: {  	s0 =	sor.u32 s3, s0;
	s1 =	sshll.u32 s1, $0x11  }
0xba: {  	s0 =	sor.u32 s1, s0  }
0xbb: {  	s0 =	sadd.s32 $0x8F2B, s0  }
0xbc: {  	[sflag:s0] =	ssyncadd.remote.s32 $0x1  }
0xbd: {  	_ =	sfence.sel $0xFFFF  }
0xbe: {  	[dreg:$0x0] =	wrdreg $0xFFFFFFFF;
	(pc) =	sbr.abs _section_cstart, $3  }
0xbf: {  	[dreg:$0x1] =	wrdreg $0xFFFFFFFF  }
0xc0: {  	_ =	task.clear_ibuf [dreg:s6], $0x2FFFF;
	_ =	strace $0x9FFFFFFF  }
0xc1: {  	(tm) =	ssettm $0x7FFFFFFF  }
tec
execute0_lowered:
.L_overlay_start_1:
0x0: {  	(tag) =	ssettag $0x1  }
0x1: {  	s1 =	srdreg.scid  }
0x2: {  	s0 =	stileid.u32;
	s6 =	sand.u32 $0x1, s1  }
0x3: {  	s8 =	rddreg [dreg:$0x0];
	s30 =	sshll.u32 s0, $0x7;
	s2 =	sshll.u32 s6, $0x6  }
0x4: {  	s7 =	simm.s32 $0x1;
	s1 =	rddreg [dreg:$0x1];
	s9 =	sor.u32 s2, s30  }
0x5: {  	s5 =	sadd.s32 $0x186E00, s8;
	s2 =	simm.s32 $0x0;
	s3 =	sshrl.u32 s9, $0x3  }
0x6: {  	s10 =	ssub.s32 $0x2, s6;
	[smem:$0x7FF] =	sst s2;
	s3 =	sadd.s32 s3, s8  }
0x7: {  	_ =	strace $0x80000047;
	s4 =	sadd.s32 $0x400, s3;
	s3 =	simm.s32 $0x2  }
0x8: {  	[tilespmem:s2], [sflag:$0x2] =	stream.linear.gather [hbm4b:s4+s2], $0x40, $0x38;
	[tilespmem:$0x840] =	vst v63  }
0x9: {  	s6 =	simm.s32 $0x40;
	s11 =	sshrl.u32 s10, $0x1;
	_ =	swait.ge [sflag:s3], $0x40  }
0xa: {  	s9 =	sshll.u32 s9, $0x2;
	s31 =	ssub.s32 s10, s11;
	[sflag:s3] =	ssyncset.done $0x0  }
0xb: {  	s8 =	sadd.s32 s9, s8;
	s9 =	smax.u32 s31, $0x1;
	[sflag:s3] =	ssyncadd.s32 $0xFFFFFFC0  }
0xc: {  	[tilespmem:s6], [sflag:$0x1] =	stream.indirect.gather [hbm4b:s5+s6], $0x20, s2, s6, $0xb8;
	[tilespmem:$0x840] =	vst v63  }
0xd: {  	p0 =	sne.s32 s9, $0x1;
	_ =	swait.ge [sflag:s7], $0x800  }
.Ltmp0:
0xe: {  	[sflag:s7] =	ssyncset.done $0x0;
	(pc) =	sbr.rel @!p0 .LBB2_2-.Ltmp0, $4  }
0xf: {  	s8 =	sadd.s32 $0x600, s8;
	[sflag:s7] =	ssyncadd.s32 $0xFFFFF800  }
0x10: {  	[hbm4b:s8+s2] =	stream.linear.scatter [tilespmem:s6], [sflag:$0x2], $0x800, $0x38;
	[tilespmem:$0x840] =	vst v63  }
0x11: {  	_ =	swait.ge [sflag:s3], $0x800  }
0x12: {  	s9 =	sadd.s32 $0xFFFFFFFF, s9;
	[sflag:s3] =	ssyncset.done $0x0  }
.LBB2_1:
0x13: {  	p0 =	sne.s32 s9, $0x1;
	s9 =	sadd.s32 $0xFFFFFFFF, s9;
	[sflag:s3] =	ssyncadd.s32 $0xFFFFF800  }
0x14: {  	[tilespmem:s2], [sflag:$0x2] =	stream.linear.gather [hbm4b:s4+s2], $0x40, $0x38;
	[tilespmem:$0x840] =	vst v63  }
0x15: {  	_ =	swait.ge [sflag:s3], $0x40  }
0x16: {  	[sflag:s3] =	ssyncset.done $0x0  }
0x17: {  	[sflag:s3] =	ssyncadd.s32 $0xFFFFFFC0  }
0x18: {  	[tilespmem:s6], [sflag:$0x1] =	stream.indirect.gather [hbm4b:s5+s6], $0x20, s2, s6, $0xb8;
	[tilespmem:$0x840] =	vst v63  }
0x19: {  	_ =	swait.ge [sflag:s7], $0x800  }
.Ltmp1:
0x1a: {  	[sflag:s7] =	ssyncset.done $0x0;
	(pc) =	sbr.rel @p0 .LBB2_1-.Ltmp1, $4  }
0x1b: {  	[sflag:s7] =	ssyncadd.s32 $0xFFFFF800  }
0x1c: {  	[hbm4b:s8+s2] =	stream.linear.scatter [tilespmem:s6], [sflag:$0x2], $0x800, $0x38;
	[tilespmem:$0x840] =	vst v63  }
0x1d: {  	_ =	swait.ge [sflag:s3], $0x800  }
0x1e: {  	[sflag:s3] =	ssyncset.done $0x0  }
.LBB2_2:
0x1f: {  	[sflag:s3] =	ssyncadd.s32 $0xFFFFF800  }
0x20: {  	_ =	sfence.sel $0x180000  }
0x21: {  	[bflag:$0x0] =	sbarrier.arrive $0xFFFF  }
0x22: {  	p0 =	sne.s32 s0, $0x0;
	_ =	strace $0x90000047  }
0x23: {  	s0 =	sadd.s32 @!p0 $0x100000, s1;
	[bflag:$0x2] =	sbarrier.arrive $0xFFFF  }
0x24: {  	[sflag:s0] =	ssyncadd.tile.s32 @!p0 $0x1;
	_ =	shalt  }
.Lfunc_end2:
_tile_overlayer_lowered:
.L_overlay_start_2:
0x25: {  	(tag) =	ssettag $0x2  }
0x26: {  	s0 =	rddreg [dreg:$0x0];
	s2 =	stileid.u32  }
0x27: {  	s1 =	rddreg [dreg:$0x1];
	p0 =	sne.s32 s2, $0x0  }
0x28: {  	s3 =	rddreg [dreg:$0x2];
	[bflag:$0x3] =	sbarrier.arrive $0xFFFF;
	s2 =	simm.s32 @!p0 $0x1C02  }
0x29: {  	[timem:s3], [sflag:s2] =	dma.local @!p0 [hbm:s0], s1  }
0x2a: {  	s0 =	simm.s32 @!p0 $0x2  }
0x2b: {  	_ =	swait.ge @!p0 [sflag:s0], s1  }
0x2c: {  	s1 =	ssub.s32 @!p0 $0x0, s1;
	[sflag:s0] =	ssyncset.done @!p0 $0x0  }
0x2d: {  	[sflag:s0] =	ssyncadd.s32 @!p0 s1  }
0x2e: {  	[bflag:$0x3] =	sbarrier.arrive $0xFFFF  }
0x2f: {  	_ =	shalt  }

</sc_bundles>
